<compile_context>
chip_gen: v7x
topology: tpu7x:2x2x1
jax: 0.10.2.dev20260603
libtpu: 0.0.44.dev20260713+nightly
codegen_flags: <defaults>
</compile_context>

<pallas_src>
import functools

import jax
import jax.numpy as jnp
from jax import lax
from jax.experimental import pallas as pl
from jax.experimental.pallas import tpu as pltpu
from jax.experimental.pallas import tpu_sc as plsc

_NC = 2
_NS = 16
_NW = _NC * _NS
_LANES = 16
_COLS = 512
_R = 16
_NBUF = 4
_UNROLL = 8


def _make_lut_kernel(n_rows: int):
    rows_per_w = n_rows // _NW
    n_chunks = rows_per_w // _R
    n_rounds = n_chunks // _NBUF
    mesh = plsc.VectorSubcoreMesh(core_axis_name="c", subcore_axis_name="s")

    @functools.partial(
        pl.kernel,
        mesh=mesh,
        compiler_params=pltpu.CompilerParams(needs_layout_passes=False),
        out_type=jax.ShapeDtypeStruct((n_rows, _COLS), jnp.float32),
        scratch_types=(
            [pltpu.VMEM((_LANES,), jnp.float32)]
            + [pltpu.VMEM((_R, _COLS), jnp.int32) for _ in range(_NBUF)]
            + [pltpu.VMEM((_R, _COLS), jnp.float32) for _ in range(_NBUF)]
            + [pltpu.SemaphoreType.DMA for _ in range(2 * _NBUF)]
        ),
    )
    def lut_kernel(idx_hbm, tab_hbm, out_hbm, tab_v, *bufs):
        idx_bufs = bufs[:_NBUF]
        out_bufs = bufs[_NBUF:2 * _NBUF]
        in_sems = bufs[2 * _NBUF:3 * _NBUF]
        out_sems = bufs[3 * _NBUF:4 * _NBUF]

        wid = lax.axis_index("s") * _NC + lax.axis_index("c")
        base = wid * rows_per_w
        pltpu.sync_copy(tab_hbm, tab_v)
        tab_vec = tab_v[...]

        def in_slice(g):
            return idx_hbm.at[pl.ds(base + g * _R, _R)]

        def out_slice(g):
            return out_hbm.at[pl.ds(base + g * _R, _R)]

        def compute(buf_i, buf_o):
            @plsc.parallel_loop(0, _R * _COLS, step=_LANES, unroll=_UNROLL)
            def _(o):
                r = o >> 9
                c = o & (_COLS - 1)
                iv = buf_i[r, pl.ds(c, _LANES)]
                buf_o[r, pl.ds(c, _LANES)] = jnp.take_along_axis(
                    tab_vec, iv, axis=0, mode="promise_in_bounds")

        def slot_step(h, g, buf_i, buf_o, isem, osem):
            pltpu.make_async_copy(in_slice(g), buf_i, isem).wait()

            @pl.when(h > 0)
            def _():
                pltpu.make_async_copy(buf_o, out_slice(g - _NBUF), osem).wait()

            compute(buf_i, buf_o)
            pltpu.async_copy(buf_o, out_slice(g), osem)

            @pl.when(h < n_rounds - 1)
            def _():
                pltpu.async_copy(in_slice(g + _NBUF), buf_i, isem)

        for s in range(_NBUF):
            pltpu.async_copy(in_slice(s), idx_bufs[s], in_sems[s])

        def ring_round(h, carry):
            g0 = _NBUF * h
            for s in range(_NBUF):
                slot_step(h, g0 + s, idx_bufs[s], out_bufs[s],
                          in_sems[s], out_sems[s])
            return carry

        lax.fori_loop(0, n_rounds, ring_round, 0)
        for s in range(_NBUF):
            pltpu.make_async_copy(
                out_bufs[s], out_slice(n_chunks - _NBUF + s),
                out_sems[s]).wait()

    return lut_kernel


def kernel(shortest_path_len, spatial_embeddings):
    B, N, M = shortest_path_len.shape
    n_rows = B * N
    idx2d = shortest_path_len.reshape(n_rows, M).astype(jnp.int32)
    tab16 = jnp.pad(
        spatial_embeddings.reshape(-1).astype(jnp.float32),
        (0, _LANES - spatial_embeddings.shape[0]))
    out2d = _make_lut_kernel(n_rows)(idx2d, tab16)
    return out2d.reshape(B, N, M)

# --- scband reference (transcript-rebuilt; emitter-appended) ---
"""Pipeline reference for scband-spatial-encoding-24215025615256 (READ-ONLY COPY).

The authoritative reference and input builder live on the scoring server;
editing this copy changes nothing except your own understanding.
"""

import jax, jax.numpy as jnp
import numpy as np


def setup_inputs(seed: int = 0) -> dict:
    key = jax.random.key(seed)
    k1, k2 = jax.random.split(key)
    shortest_path_len = jax.random.randint(k1, (64, 512, 512), 0, 11, dtype=jnp.int64) if jax.config.jax_enable_x64 else jax.random.randint(k1, (64, 512, 512), 0, 11, dtype=jnp.int32)
    spatial_embeddings = jax.random.normal(k2, (11, 1), dtype=jnp.float32)
    return {"shortest_path_len": shortest_path_len, "spatial_embeddings": spatial_embeddings}


def reference(shortest_path_len, spatial_embeddings):
    # nn.Embedding lookup: table[idx] -> [B, N, N, 1], then squeeze -> [B, N, N]
    spatial_matrix = jnp.take(spatial_embeddings, shortest_path_len, axis=0)
    return jnp.squeeze(spatial_matrix)

if __name__ == "__main__":
    import jax
    _d = setup_inputs()
    print(jax.jit(kernel)(*tuple(_d.values())))

</pallas_src>

<mosaic_0001>
#map = affine_map<(d0, d1) -> (0, 0)>
#map1 = affine_map<(d0, d1) -> (0)>
module attributes {stable_mosaic.version = 14 : i64} {
  func.func @lut_kernel(%arg0: i32, %arg1: i32, %arg2: memref<32768x512xi32, #tpu.memory_space<hbm>>, %arg3: memref<16xf32, #tpu.memory_space<hbm>>, %arg4: memref<32768x512xf32, #tpu.memory_space<hbm>>, %arg5: memref<16xf32, #tpu.memory_space<vmem>>, %arg6: memref<16x512xi32, #tpu.memory_space<vmem>>, %arg7: memref<16x512xi32, #tpu.memory_space<vmem>>, %arg8: memref<16x512xi32, #tpu.memory_space<vmem>>, %arg9: memref<16x512xi32, #tpu.memory_space<vmem>>, %arg10: memref<16x512xf32, #tpu.memory_space<vmem>>, %arg11: memref<16x512xf32, #tpu.memory_space<vmem>>, %arg12: memref<16x512xf32, #tpu.memory_space<vmem>>, %arg13: memref<16x512xf32, #tpu.memory_space<vmem>>, %arg14: memref<!tpu.dma_semaphore, #tpu.memory_space<semaphore_mem>>, %arg15: memref<!tpu.dma_semaphore, #tpu.memory_space<semaphore_mem>>, %arg16: memref<!tpu.dma_semaphore, #tpu.memory_space<semaphore_mem>>, %arg17: memref<!tpu.dma_semaphore, #tpu.memory_space<semaphore_mem>>, %arg18: memref<!tpu.dma_semaphore, #tpu.memory_space<semaphore_mem>>, %arg19: memref<!tpu.dma_semaphore, #tpu.memory_space<semaphore_mem>>, %arg20: memref<!tpu.dma_semaphore, #tpu.memory_space<semaphore_mem>>, %arg21: memref<!tpu.dma_semaphore, #tpu.memory_space<semaphore_mem>>) attributes {dimension_semantics = [#tpu.dimension_semantics<core_parallel>, #tpu.dimension_semantics<subcore_parallel>], iteration_bounds = array<i64: 2, 16>, scalar_prefetch = 0 : i64, scratch_operands = 17 : i64, tpu.core_type = #tpu.core_type<sc_vector_subcore>, window_params = [{transform_indices = #map}, {transform_indices = #map1}, {transform_indices = #map}]} {
    %mul3A = arith.constant 2 : i32
    %mul3A_0 = arith.muli %arg1, %mul3A : i32
    %add3A = arith.addi %mul3A_0, %arg0 : i32
    %mul3A_1 = arith.constant 1024 : i32
    %mul3A_2 = arith.muli %add3A, %mul3A_1 : i32
    "tpu.region"() ({
      %run_scoped3A = tpu.sem_alloc : memref<!tpu.dma_semaphore, #tpu.memory_space<semaphore_mem>>
      tpu.enqueue_dma source(%arg3 : memref<16xf32, #tpu.memory_space<hbm>>) target(%arg5 : memref<16xf32, #tpu.memory_space<vmem>>) target_semaphore(%run_scoped3A : memref<!tpu.dma_semaphore, #tpu.memory_space<semaphore_mem>>)
      tpu.wait_dma2 semaphore(%run_scoped3A : memref<!tpu.dma_semaphore, #tpu.memory_space<semaphore_mem>>) src(%arg3 : memref<16xf32, #tpu.memory_space<hbm>>) dst(%arg5 : memref<16xf32, #tpu.memory_space<vmem>>)
      tpu.yield
    }) : () -> ()
    %get3A = arith.constant 0 : index
    %get3A_3 = tpu.vector_load %arg5[%get3A] {strides = array<i32>} : memref<16xf32, #tpu.memory_space<vmem>>, vector<16xf32>,
    %add3A_4 = arith.constant 0 : i32
    %add3A_5 = arith.addi %mul3A_2, %add3A_4 : i32
    %dma_start3A = arith.constant 0 : i32
    %dma_start3A_6 = tpu.memref_slice %arg2[%add3A_5, %dma_start3A] : memref<32768x512xi32, #tpu.memory_space<hbm>> -> memref<16x512xi32, #tpu.memory_space<hbm>>
    %dma_start3A_7 = arith.constant 0 : i32
    %dma_start3A_8 = tpu.memref_slice %arg2[%add3A_5, %dma_start3A_7] : memref<32768x512xi32, #tpu.memory_space<hbm>> -> memref<16x512xi32, #tpu.memory_space<hbm>>
    tpu.enqueue_dma source(%dma_start3A_8 : memref<16x512xi32, #tpu.memory_space<hbm>>) target(%arg6 : memref<16x512xi32, #tpu.memory_space<vmem>>) target_semaphore(%arg14 : memref<!tpu.dma_semaphore, #tpu.memory_space<semaphore_mem>>)
    %add3A_9 = arith.constant 16 : i32
    %add3A_10 = arith.addi %mul3A_2, %add3A_9 : i32
    %dma_start3A_11 = arith.constant 0 : i32
    %dma_start3A_12 = tpu.memref_slice %arg2[%add3A_10, %dma_start3A_11] : memref<32768x512xi32, #tpu.memory_space<hbm>> -> memref<16x512xi32, #tpu.memory_space<hbm>>
    %dma_start3A_13 = arith.constant 0 : i32
    %dma_start3A_14 = tpu.memref_slice %arg2[%add3A_10, %dma_start3A_13] : memref<32768x512xi32, #tpu.memory_space<hbm>> -> memref<16x512xi32, #tpu.memory_space<hbm>>
    tpu.enqueue_dma source(%dma_start3A_14 : memref<16x512xi32, #tpu.memory_space<hbm>>) target(%arg7 : memref<16x512xi32, #tpu.memory_space<vmem>>) target_semaphore(%arg15 : memref<!tpu.dma_semaphore, #tpu.memory_space<semaphore_mem>>)
    %add3A_15 = arith.constant 32 : i32
    %add3A_16 = arith.addi %mul3A_2, %add3A_15 : i32
    %dma_start3A_17 = arith.constant 0 : i32
    %dma_start3A_18 = tpu.memref_slice %arg2[%add3A_16, %dma_start3A_17] : memref<32768x512xi32, #tpu.memory_space<hbm>> -> memref<16x512xi32, #tpu.memory_space<hbm>>
    %dma_start3A_19 = arith.constant 0 : i32
    %dma_start3A_20 = tpu.memref_slice %arg2[%add3A_16, %dma_start3A_19] : memref<32768x512xi32, #tpu.memory_space<hbm>> -> memref<16x512xi32, #tpu.memory_space<hbm>>
    tpu.enqueue_dma source(%dma_start3A_20 : memref<16x512xi32, #tpu.memory_space<hbm>>) target(%arg8 : memref<16x512xi32, #tpu.memory_space<vmem>>) target_semaphore(%arg16 : memref<!tpu.dma_semaphore, #tpu.memory_space<semaphore_mem>>)
    %add3A_21 = arith.constant 48 : i32
    %add3A_22 = arith.addi %mul3A_2, %add3A_21 : i32
    %dma_start3A_23 = arith.constant 0 : i32
    %dma_start3A_24 = tpu.memref_slice %arg2[%add3A_22, %dma_start3A_23] : memref<32768x512xi32, #tpu.memory_space<hbm>> -> memref<16x512xi32, #tpu.memory_space<hbm>>
    %dma_start3A_25 = arith.constant 0 : i32
    %dma_start3A_26 = tpu.memref_slice %arg2[%add3A_22, %dma_start3A_25] : memref<32768x512xi32, #tpu.memory_space<hbm>> -> memref<16x512xi32, #tpu.memory_space<hbm>>
    tpu.enqueue_dma source(%dma_start3A_26 : memref<16x512xi32, #tpu.memory_space<hbm>>) target(%arg9 : memref<16x512xi32, #tpu.memory_space<vmem>>) target_semaphore(%arg17 : memref<!tpu.dma_semaphore, #tpu.memory_space<semaphore_mem>>)
    %scan3A = arith.constant 0 : i32
    %scan3A_27 = arith.constant 0 : i32
    %scan3A_28 = arith.constant 16 : i32
    %scan3A_29 = arith.addi %scan3A_27, %scan3A_28 : i32
    %scan3A_30 = arith.constant 1 : i32
    scf.for %scan3A_55 = %scan3A_27 to %scan3A_29 step %scan3A_30  : i32 {
      %mul3A_56 = arith.constant 4 : i32
      %mul3A_57 = arith.muli %mul3A_56, %scan3A_55 : i32
      %add3A_58 = arith.constant 0 : i32
      %add3A_59 = arith.addi %mul3A_57, %add3A_58 : i32
      %mul3A_60 = arith.constant 16 : i32
      %mul3A_61 = arith.muli %add3A_59, %mul3A_60 : i32
      %add3A_62 = arith.addi %mul3A_2, %mul3A_61 : i32
      %dma_wait3A_63 = arith.constant 0 : i32
      %dma_wait3A_64 = tpu.memref_slice %arg2[%add3A_62, %dma_wait3A_63] : memref<32768x512xi32, #tpu.memory_space<hbm>> -> memref<16x512xi32, #tpu.memory_space<hbm>>
      %dma_wait3A_65 = arith.constant 0 : i32
      %dma_wait3A_66 = tpu.memref_slice %arg2[%add3A_62, %dma_wait3A_65] : memref<32768x512xi32, #tpu.memory_space<hbm>> -> memref<16x512xi32, #tpu.memory_space<hbm>>
      tpu.wait_dma2 semaphore(%arg14 : memref<!tpu.dma_semaphore, #tpu.memory_space<semaphore_mem>>) src(%dma_wait3A_66 : memref<16x512xi32, #tpu.memory_space<hbm>>) dst(%arg6 : memref<16x512xi32, #tpu.memory_space<vmem>>)
      %gt3A = arith.constant 0 : i32
      %gt3A_67 = arith.cmpi sgt, %scan3A_55, %gt3A : i32
      %convert_element_type3A = arith.extui %gt3A_67 : i1 to i32
      %cond3A = arith.constant 0 : i32
      %cond3A_68 = arith.cmpi ne, %convert_element_type3A, %cond3A : i32
      scf.if %cond3A_68 {
        %sub3A = arith.constant 4 : i32
        %sub3A_169 = arith.subi %add3A_59, %sub3A : i32
        %mul3A_170 = arith.constant 16 : i32
        %mul3A_171 = arith.muli %sub3A_169, %mul3A_170 : i32
        %add3A_172 = arith.addi %mul3A_2, %mul3A_171 : i32
        %dma_wait3A_173 = arith.constant 0 : i32
        %dma_wait3A_174 = tpu.memref_slice %arg4[%add3A_172, %dma_wait3A_173] : memref<32768x512xf32, #tpu.memory_space<hbm>> -> memref<16x512xf32, #tpu.memory_space<hbm>>
        %dma_wait3A_175 = arith.constant 0 : i32
        %dma_wait3A_176 = tpu.memref_slice %arg4[%add3A_172, %dma_wait3A_175] : memref<32768x512xf32, #tpu.memory_space<hbm>> -> memref<16x512xf32, #tpu.memory_space<hbm>>
        tpu.wait_dma2 semaphore(%arg18 : memref<!tpu.dma_semaphore, #tpu.memory_space<semaphore_mem>>) src(%arg10 : memref<16x512xf32, #tpu.memory_space<vmem>>) dst(%dma_wait3A_176 : memref<16x512xf32, #tpu.memory_space<hbm>>)
      } else {
      }
      %parallel_loop3A = arith.constant 0 : i32
      %parallel_loop3A_69 = arith.constant 8192 : i32
      %parallel_loop3A_70 = arith.constant 16 : i32
      scf.for %parallel_loop3A_169 = %parallel_loop3A to %parallel_loop3A_69 step %parallel_loop3A_70  : i32 {
        %parallel_loop3A_170 = arith.constant 9 : i32
        %parallel_loop3A_171 = arith.shrsi %parallel_loop3A_169, %parallel_loop3A_170 : i32
        %parallel_loop3A_172 = arith.constant 511 : i32
        %parallel_loop3A_173 = arith.andi %parallel_loop3A_169, %parallel_loop3A_172 : i32
        %parallel_loop3A_174 = arith.index_cast %parallel_loop3A_171 : i32 to index
        %parallel_loop3A_175 = arith.index_cast %parallel_loop3A_173 : i32 to index
        %parallel_loop3A_176 = tpu.vector_load %arg6[%parallel_loop3A_174, %parallel_loop3A_175] {strides = array<i32>} : memref<16x512xi32, #tpu.memory_space<vmem>>, vector<16xi32>,
        %parallel_loop3A_177 = vector.shape_cast %parallel_loop3A_176 : vector<16xi32> to vector<16x1xi32>
        %parallel_loop3A_178 = vector.shape_cast %parallel_loop3A_177 : vector<16x1xi32> to vector<16xi32>
        %parallel_loop3A_179 = tpu.dynamic_gather %get3A_3[%parallel_loop3A_178] in [0] : vector<16xf32>, vector<16xi32> -> vector<16xf32>
        %parallel_loop3A_180 = arith.index_cast %parallel_loop3A_171 : i32 to index
        %parallel_loop3A_181 = arith.index_cast %parallel_loop3A_173 : i32 to index
        %parallel_loop3A_182 = tpu.vector_load %arg10[%parallel_loop3A_180, %parallel_loop3A_181] {strides = array<i32>} : memref<16x512xf32, #tpu.memory_space<vmem>>, vector<16xf32>,
        tpu.vector_store %arg10[%parallel_loop3A_180, %parallel_loop3A_181], %parallel_loop3A_179 {strides = array<i32>} : memref<16x512xf32, #tpu.memory_space<vmem>>, vector<16xf32>,
      } {sc.loop_unroll_factor = 8 : i64, sc.parallel_access}
      %mul3A_71 = arith.constant 16 : i32
      %mul3A_72 = arith.muli %add3A_59, %mul3A_71 : i32
      %add3A_73 = arith.addi %mul3A_2, %mul3A_72 : i32
      %dma_start3A_74 = arith.constant 0 : i32
      %dma_start3A_75 = tpu.memref_slice %arg4[%add3A_73, %dma_start3A_74] : memref<32768x512xf32, #tpu.memory_space<hbm>> -> memref<16x512xf32, #tpu.memory_space<hbm>>
      %dma_start3A_76 = arith.constant 0 : i32
      %dma_start3A_77 = tpu.memref_slice %arg4[%add3A_73, %dma_start3A_76] : memref<32768x512xf32, #tpu.memory_space<hbm>> -> memref<16x512xf32, #tpu.memory_space<hbm>>
      tpu.enqueue_dma source(%arg10 : memref<16x512xf32, #tpu.memory_space<vmem>>) target(%dma_start3A_77 : memref<16x512xf32, #tpu.memory_space<hbm>>) target_semaphore(%arg18 : memref<!tpu.dma_semaphore, #tpu.memory_space<semaphore_mem>>)
      %lt3A = arith.constant 15 : i32
      %lt3A_78 = arith.cmpi slt, %scan3A_55, %lt3A : i32
      %convert_element_type3A_79 = arith.extui %lt3A_78 : i1 to i32
      %cond3A_80 = arith.constant 0 : i32
      %cond3A_81 = arith.cmpi ne, %convert_element_type3A_79, %cond3A_80 : i32
      scf.if %cond3A_81 {
        %add3A_169 = arith.constant 4 : i32
        %add3A_170 = arith.addi %add3A_59, %add3A_169 : i32
        %mul3A_171 = arith.constant 16 : i32
        %mul3A_172 = arith.muli %add3A_170, %mul3A_171 : i32
        %add3A_173 = arith.addi %mul3A_2, %mul3A_172 : i32
        %dma_start3A_174 = arith.constant 0 : i32
        %dma_start3A_175 = tpu.memref_slice %arg2[%add3A_173, %dma_start3A_174] : memref<32768x512xi32, #tpu.memory_space<hbm>> -> memref<16x512xi32, #tpu.memory_space<hbm>>
        %dma_start3A_176 = arith.constant 0 : i32
        %dma_start3A_177 = tpu.memref_slice %arg2[%add3A_173, %dma_start3A_176] : memref<32768x512xi32, #tpu.memory_space<hbm>> -> memref<16x512xi32, #tpu.memory_space<hbm>>
        tpu.enqueue_dma source(%dma_start3A_177 : memref<16x512xi32, #tpu.memory_space<hbm>>) target(%arg6 : memref<16x512xi32, #tpu.memory_space<vmem>>) target_semaphore(%arg14 : memref<!tpu.dma_semaphore, #tpu.memory_space<semaphore_mem>>)
      } else {
      }
      %add3A_82 = arith.constant 1 : i32
      %add3A_83 = arith.addi %mul3A_57, %add3A_82 : i32
      %mul3A_84 = arith.constant 16 : i32
      %mul3A_85 = arith.muli %add3A_83, %mul3A_84 : i32
      %add3A_86 = arith.addi %mul3A_2, %mul3A_85 : i32
      %dma_wait3A_87 = arith.constant 0 : i32
      %dma_wait3A_88 = tpu.memref_slice %arg2[%add3A_86, %dma_wait3A_87] : memref<32768x512xi32, #tpu.memory_space<hbm>> -> memref<16x512xi32, #tpu.memory_space<hbm>>
      %dma_wait3A_89 = arith.constant 0 : i32
      %dma_wait3A_90 = tpu.memref_slice %arg2[%add3A_86, %dma_wait3A_89] : memref<32768x512xi32, #tpu.memory_space<hbm>> -> memref<16x512xi32, #tpu.memory_space<hbm>>
      tpu.wait_dma2 semaphore(%arg15 : memref<!tpu.dma_semaphore, #tpu.memory_space<semaphore_mem>>) src(%dma_wait3A_90 : memref<16x512xi32, #tpu.memory_space<hbm>>) dst(%arg7 : memref<16x512xi32, #tpu.memory_space<vmem>>)
      %gt3A_91 = arith.constant 0 : i32
      %gt3A_92 = arith.cmpi sgt, %scan3A_55, %gt3A_91 : i32
      %convert_element_type3A_93 = arith.extui %gt3A_92 : i1 to i32
      %cond3A_94 = arith.constant 0 : i32
      %cond3A_95 = arith.cmpi ne, %convert_element_type3A_93, %cond3A_94 : i32
      scf.if %cond3A_95 {
        %sub3A = arith.constant 4 : i32
        %sub3A_169 = arith.subi %add3A_83, %sub3A : i32
        %mul3A_170 = arith.constant 16 : i32
        %mul3A_171 = arith.muli %sub3A_169, %mul3A_170 : i32
        %add3A_172 = arith.addi %mul3A_2, %mul3A_171 : i32
        %dma_wait3A_173 = arith.constant 0 : i32
        %dma_wait3A_174 = tpu.memref_slice %arg4[%add3A_172, %dma_wait3A_173] : memref<32768x512xf32, #tpu.memory_space<hbm>> -> memref<16x512xf32, #tpu.memory_space<hbm>>
        %dma_wait3A_175 = arith.constant 0 : i32
        %dma_wait3A_176 = tpu.memref_slice %arg4[%add3A_172, %dma_wait3A_175] : memref<32768x512xf32, #tpu.memory_space<hbm>> -> memref<16x512xf32, #tpu.memory_space<hbm>>
        tpu.wait_dma2 semaphore(%arg19 : memref<!tpu.dma_semaphore, #tpu.memory_space<semaphore_mem>>) src(%arg11 : memref<16x512xf32, #tpu.memory_space<vmem>>) dst(%dma_wait3A_176 : memref<16x512xf32, #tpu.memory_space<hbm>>)
      } else {
      }
      %parallel_loop3A_96 = arith.constant 0 : i32
      %parallel_loop3A_97 = arith.constant 8192 : i32
      %parallel_loop3A_98 = arith.constant 16 : i32
      scf.for %parallel_loop3A_169 = %parallel_loop3A_96 to %parallel_loop3A_97 step %parallel_loop3A_98  : i32 {
        %parallel_loop3A_170 = arith.constant 9 : i32
        %parallel_loop3A_171 = arith.shrsi %parallel_loop3A_169, %parallel_loop3A_170 : i32
        %parallel_loop3A_172 = arith.constant 511 : i32
        %parallel_loop3A_173 = arith.andi %parallel_loop3A_169, %parallel_loop3A_172 : i32
        %parallel_loop3A_174 = arith.index_cast %parallel_loop3A_171 : i32 to index
        %parallel_loop3A_175 = arith.index_cast %parallel_loop3A_173 : i32 to index
        %parallel_loop3A_176 = tpu.vector_load %arg7[%parallel_loop3A_174, %parallel_loop3A_175] {strides = array<i32>} : memref<16x512xi32, #tpu.memory_space<vmem>>, vector<16xi32>,
        %parallel_loop3A_177 = vector.shape_cast %parallel_loop3A_176 : vector<16xi32> to vector<16x1xi32>
        %parallel_loop3A_178 = vector.shape_cast %parallel_loop3A_177 : vector<16x1xi32> to vector<16xi32>
        %parallel_loop3A_179 = tpu.dynamic_gather %get3A_3[%parallel_loop3A_178] in [0] : vector<16xf32>, vector<16xi32> -> vector<16xf32>
        %parallel_loop3A_180 = arith.index_cast %parallel_loop3A_171 : i32 to index
        %parallel_loop3A_181 = arith.index_cast %parallel_loop3A_173 : i32 to index
        %parallel_loop3A_182 = tpu.vector_load %arg11[%parallel_loop3A_180, %parallel_loop3A_181] {strides = array<i32>} : memref<16x512xf32, #tpu.memory_space<vmem>>, vector<16xf32>,
        tpu.vector_store %arg11[%parallel_loop3A_180, %parallel_loop3A_181], %parallel_loop3A_179 {strides = array<i32>} : memref<16x512xf32, #tpu.memory_space<vmem>>, vector<16xf32>,
      } {sc.loop_unroll_factor = 8 : i64, sc.parallel_access}
      %mul3A_99 = arith.constant 16 : i32
      %mul3A_100 = arith.muli %add3A_83, %mul3A_99 : i32
      %add3A_101 = arith.addi %mul3A_2, %mul3A_100 : i32
      %dma_start3A_102 = arith.constant 0 : i32
      %dma_start3A_103 = tpu.memref_slice %arg4[%add3A_101, %dma_start3A_102] : memref<32768x512xf32, #tpu.memory_space<hbm>> -> memref<16x512xf32, #tpu.memory_space<hbm>>
      %dma_start3A_104 = arith.constant 0 : i32
      %dma_start3A_105 = tpu.memref_slice %arg4[%add3A_101, %dma_start3A_104] : memref<32768x512xf32, #tpu.memory_space<hbm>> -> memref<16x512xf32, #tpu.memory_space<hbm>>
      tpu.enqueue_dma source(%arg11 : memref<16x512xf32, #tpu.memory_space<vmem>>) target(%dma_start3A_105 : memref<16x512xf32, #tpu.memory_space<hbm>>) target_semaphore(%arg19 : memref<!tpu.dma_semaphore, #tpu.memory_space<semaphore_mem>>)
      %lt3A_106 = arith.constant 15 : i32
      %lt3A_107 = arith.cmpi slt, %scan3A_55, %lt3A_106 : i32
      %convert_element_type3A_108 = arith.extui %lt3A_107 : i1 to i32
      %cond3A_109 = arith.constant 0 : i32
      %cond3A_110 = arith.cmpi ne, %convert_element_type3A_108, %cond3A_109 : i32
      scf.if %cond3A_110 {
        %add3A_169 = arith.constant 4 : i32
        %add3A_170 = arith.addi %add3A_83, %add3A_169 : i32
        %mul3A_171 = arith.constant 16 : i32
        %mul3A_172 = arith.muli %add3A_170, %mul3A_171 : i32
        %add3A_173 = arith.addi %mul3A_2, %mul3A_172 : i32
        %dma_start3A_174 = arith.constant 0 : i32
        %dma_start3A_175 = tpu.memref_slice %arg2[%add3A_173, %dma_start3A_174] : memref<32768x512xi32, #tpu.memory_space<hbm>> -> memref<16x512xi32, #tpu.memory_space<hbm>>
        %dma_start3A_176 = arith.constant 0 : i32
        %dma_start3A_177 = tpu.memref_slice %arg2[%add3A_173, %dma_start3A_176] : memref<32768x512xi32, #tpu.memory_space<hbm>> -> memref<16x512xi32, #tpu.memory_space<hbm>>
        tpu.enqueue_dma source(%dma_start3A_177 : memref<16x512xi32, #tpu.memory_space<hbm>>) target(%arg7 : memref<16x512xi32, #tpu.memory_space<vmem>>) target_semaphore(%arg15 : memref<!tpu.dma_semaphore, #tpu.memory_space<semaphore_mem>>)
      } else {
      }
      %add3A_111 = arith.constant 2 : i32
      %add3A_112 = arith.addi %mul3A_57, %add3A_111 : i32
      %mul3A_113 = arith.constant 16 : i32
      %mul3A_114 = arith.muli %add3A_112, %mul3A_113 : i32
      %add3A_115 = arith.addi %mul3A_2, %mul3A_114 : i32
      %dma_wait3A_116 = arith.constant 0 : i32
      %dma_wait3A_117 = tpu.memref_slice %arg2[%add3A_115, %dma_wait3A_116] : memref<32768x512xi32, #tpu.memory_space<hbm>> -> memref<16x512xi32, #tpu.memory_space<hbm>>
      %dma_wait3A_118 = arith.constant 0 : i32
      %dma_wait3A_119 = tpu.memref_slice %arg2[%add3A_115, %dma_wait3A_118] : memref<32768x512xi32, #tpu.memory_space<hbm>> -> memref<16x512xi32, #tpu.memory_space<hbm>>
      tpu.wait_dma2 semaphore(%arg16 : memref<!tpu.dma_semaphore, #tpu.memory_space<semaphore_mem>>) src(%dma_wait3A_119 : memref<16x512xi32, #tpu.memory_space<hbm>>) dst(%arg8 : memref<16x512xi32, #tpu.memory_space<vmem>>)
      %gt3A_120 = arith.constant 0 : i32
      %gt3A_121 = arith.cmpi sgt, %scan3A_55, %gt3A_120 : i32
      %convert_element_type3A_122 = arith.extui %gt3A_121 : i1 to i32
      %cond3A_123 = arith.constant 0 : i32
      %cond3A_124 = arith.cmpi ne, %convert_element_type3A_122, %cond3A_123 : i32
      scf.if %cond3A_124 {
        %sub3A = arith.constant 4 : i32
        %sub3A_169 = arith.subi %add3A_112, %sub3A : i32
        %mul3A_170 = arith.constant 16 : i32
        %mul3A_171 = arith.muli %sub3A_169, %mul3A_170 : i32
        %add3A_172 = arith.addi %mul3A_2, %mul3A_171 : i32
        %dma_wait3A_173 = arith.constant 0 : i32
        %dma_wait3A_174 = tpu.memref_slice %arg4[%add3A_172, %dma_wait3A_173] : memref<32768x512xf32, #tpu.memory_space<hbm>> -> memref<16x512xf32, #tpu.memory_space<hbm>>
        %dma_wait3A_175 = arith.constant 0 : i32
        %dma_wait3A_176 = tpu.memref_slice %arg4[%add3A_172, %dma_wait3A_175] : memref<32768x512xf32, #tpu.memory_space<hbm>> -> memref<16x512xf32, #tpu.memory_space<hbm>>
        tpu.wait_dma2 semaphore(%arg20 : memref<!tpu.dma_semaphore, #tpu.memory_space<semaphore_mem>>) src(%arg12 : memref<16x512xf32, #tpu.memory_space<vmem>>) dst(%dma_wait3A_176 : memref<16x512xf32, #tpu.memory_space<hbm>>)
      } else {
      }
      %parallel_loop3A_125 = arith.constant 0 : i32
      %parallel_loop3A_126 = arith.constant 8192 : i32
      %parallel_loop3A_127 = arith.constant 16 : i32
      scf.for %parallel_loop3A_169 = %parallel_loop3A_125 to %parallel_loop3A_126 step %parallel_loop3A_127  : i32 {
        %parallel_loop3A_170 = arith.constant 9 : i32
        %parallel_loop3A_171 = arith.shrsi %parallel_loop3A_169, %parallel_loop3A_170 : i32
        %parallel_loop3A_172 = arith.constant 511 : i32
        %parallel_loop3A_173 = arith.andi %parallel_loop3A_169, %parallel_loop3A_172 : i32
        %parallel_loop3A_174 = arith.index_cast %parallel_loop3A_171 : i32 to index
        %parallel_loop3A_175 = arith.index_cast %parallel_loop3A_173 : i32 to index
        %parallel_loop3A_176 = tpu.vector_load %arg8[%parallel_loop3A_174, %parallel_loop3A_175] {strides = array<i32>} : memref<16x512xi32, #tpu.memory_space<vmem>>, vector<16xi32>,
        %parallel_loop3A_177 = vector.shape_cast %parallel_loop3A_176 : vector<16xi32> to vector<16x1xi32>
        %parallel_loop3A_178 = vector.shape_cast %parallel_loop3A_177 : vector<16x1xi32> to vector<16xi32>
        %parallel_loop3A_179 = tpu.dynamic_gather %get3A_3[%parallel_loop3A_178] in [0] : vector<16xf32>, vector<16xi32> -> vector<16xf32>
        %parallel_loop3A_180 = arith.index_cast %parallel_loop3A_171 : i32 to index
        %parallel_loop3A_181 = arith.index_cast %parallel_loop3A_173 : i32 to index
        %parallel_loop3A_182 = tpu.vector_load %arg12[%parallel_loop3A_180, %parallel_loop3A_181] {strides = array<i32>} : memref<16x512xf32, #tpu.memory_space<vmem>>, vector<16xf32>,
        tpu.vector_store %arg12[%parallel_loop3A_180, %parallel_loop3A_181], %parallel_loop3A_179 {strides = array<i32>} : memref<16x512xf32, #tpu.memory_space<vmem>>, vector<16xf32>,
      } {sc.loop_unroll_factor = 8 : i64, sc.parallel_access}
      %mul3A_128 = arith.constant 16 : i32
      %mul3A_129 = arith.muli %add3A_112, %mul3A_128 : i32
      %add3A_130 = arith.addi %mul3A_2, %mul3A_129 : i32
      %dma_start3A_131 = arith.constant 0 : i32
      %dma_start3A_132 = tpu.memref_slice %arg4[%add3A_130, %dma_start3A_131] : memref<32768x512xf32, #tpu.memory_space<hbm>> -> memref<16x512xf32, #tpu.memory_space<hbm>>
      %dma_start3A_133 = arith.constant 0 : i32
      %dma_start3A_134 = tpu.memref_slice %arg4[%add3A_130, %dma_start3A_133] : memref<32768x512xf32, #tpu.memory_space<hbm>> -> memref<16x512xf32, #tpu.memory_space<hbm>>
      tpu.enqueue_dma source(%arg12 : memref<16x512xf32, #tpu.memory_space<vmem>>) target(%dma_start3A_134 : memref<16x512xf32, #tpu.memory_space<hbm>>) target_semaphore(%arg20 : memref<!tpu.dma_semaphore, #tpu.memory_space<semaphore_mem>>)
      %lt3A_135 = arith.constant 15 : i32
      %lt3A_136 = arith.cmpi slt, %scan3A_55, %lt3A_135 : i32
      %convert_element_type3A_137 = arith.extui %lt3A_136 : i1 to i32
      %cond3A_138 = arith.constant 0 : i32
      %cond3A_139 = arith.cmpi ne, %convert_element_type3A_137, %cond3A_138 : i32
      scf.if %cond3A_139 {
        %add3A_169 = arith.constant 4 : i32
        %add3A_170 = arith.addi %add3A_112, %add3A_169 : i32
        %mul3A_171 = arith.constant 16 : i32
        %mul3A_172 = arith.muli %add3A_170, %mul3A_171 : i32
        %add3A_173 = arith.addi %mul3A_2, %mul3A_172 : i32
        %dma_start3A_174 = arith.constant 0 : i32
        %dma_start3A_175 = tpu.memref_slice %arg2[%add3A_173, %dma_start3A_174] : memref<32768x512xi32, #tpu.memory_space<hbm>> -> memref<16x512xi32, #tpu.memory_space<hbm>>
        %dma_start3A_176 = arith.constant 0 : i32
        %dma_start3A_177 = tpu.memref_slice %arg2[%add3A_173, %dma_start3A_176] : memref<32768x512xi32, #tpu.memory_space<hbm>> -> memref<16x512xi32, #tpu.memory_space<hbm>>
        tpu.enqueue_dma source(%dma_start3A_177 : memref<16x512xi32, #tpu.memory_space<hbm>>) target(%arg8 : memref<16x512xi32, #tpu.memory_space<vmem>>) target_semaphore(%arg16 : memref<!tpu.dma_semaphore, #tpu.memory_space<semaphore_mem>>)
      } else {
      }
      %add3A_140 = arith.constant 3 : i32
      %add3A_141 = arith.addi %mul3A_57, %add3A_140 : i32
      %mul3A_142 = arith.constant 16 : i32
      %mul3A_143 = arith.muli %add3A_141, %mul3A_142 : i32
      %add3A_144 = arith.addi %mul3A_2, %mul3A_143 : i32
      %dma_wait3A_145 = arith.constant 0 : i32
      %dma_wait3A_146 = tpu.memref_slice %arg2[%add3A_144, %dma_wait3A_145] : memref<32768x512xi32, #tpu.memory_space<hbm>> -> memref<16x512xi32, #tpu.memory_space<hbm>>
      %dma_wait3A_147 = arith.constant 0 : i32
      %dma_wait3A_148 = tpu.memref_slice %arg2[%add3A_144, %dma_wait3A_147] : memref<32768x512xi32, #tpu.memory_space<hbm>> -> memref<16x512xi32, #tpu.memory_space<hbm>>
      tpu.wait_dma2 semaphore(%arg17 : memref<!tpu.dma_semaphore, #tpu.memory_space<semaphore_mem>>) src(%dma_wait3A_148 : memref<16x512xi32, #tpu.memory_space<hbm>>) dst(%arg9 : memref<16x512xi32, #tpu.memory_space<vmem>>)
      %gt3A_149 = arith.constant 0 : i32
      %gt3A_150 = arith.cmpi sgt, %scan3A_55, %gt3A_149 : i32
      %convert_element_type3A_151 = arith.extui %gt3A_150 : i1 to i32
      %cond3A_152 = arith.constant 0 : i32
      %cond3A_153 = arith.cmpi ne, %convert_element_type3A_151, %cond3A_152 : i32
      scf.if %cond3A_153 {
        %sub3A = arith.constant 4 : i32
        %sub3A_169 = arith.subi %add3A_141, %sub3A : i32
        %mul3A_170 = arith.constant 16 : i32
        %mul3A_171 = arith.muli %sub3A_169, %mul3A_170 : i32
        %add3A_172 = arith.addi %mul3A_2, %mul3A_171 : i32
        %dma_wait3A_173 = arith.constant 0 : i32
        %dma_wait3A_174 = tpu.memref_slice %arg4[%add3A_172, %dma_wait3A_173] : memref<32768x512xf32, #tpu.memory_space<hbm>> -> memref<16x512xf32, #tpu.memory_space<hbm>>
        %dma_wait3A_175 = arith.constant 0 : i32
        %dma_wait3A_176 = tpu.memref_slice %arg4[%add3A_172, %dma_wait3A_175] : memref<32768x512xf32, #tpu.memory_space<hbm>> -> memref<16x512xf32, #tpu.memory_space<hbm>>
        tpu.wait_dma2 semaphore(%arg21 : memref<!tpu.dma_semaphore, #tpu.memory_space<semaphore_mem>>) src(%arg13 : memref<16x512xf32, #tpu.memory_space<vmem>>) dst(%dma_wait3A_176 : memref<16x512xf32, #tpu.memory_space<hbm>>)
      } else {
      }
      %parallel_loop3A_154 = arith.constant 0 : i32
      %parallel_loop3A_155 = arith.constant 8192 : i32
      %parallel_loop3A_156 = arith.constant 16 : i32
      scf.for %parallel_loop3A_169 = %parallel_loop3A_154 to %parallel_loop3A_155 step %parallel_loop3A_156  : i32 {
        %parallel_loop3A_170 = arith.constant 9 : i32
        %parallel_loop3A_171 = arith.shrsi %parallel_loop3A_169, %parallel_loop3A_170 : i32
        %parallel_loop3A_172 = arith.constant 511 : i32
        %parallel_loop3A_173 = arith.andi %parallel_loop3A_169, %parallel_loop3A_172 : i32
        %parallel_loop3A_174 = arith.index_cast %parallel_loop3A_171 : i32 to index
        %parallel_loop3A_175 = arith.index_cast %parallel_loop3A_173 : i32 to index
        %parallel_loop3A_176 = tpu.vector_load %arg9[%parallel_loop3A_174, %parallel_loop3A_175] {strides = array<i32>} : memref<16x512xi32, #tpu.memory_space<vmem>>, vector<16xi32>,
        %parallel_loop3A_177 = vector.shape_cast %parallel_loop3A_176 : vector<16xi32> to vector<16x1xi32>
        %parallel_loop3A_178 = vector.shape_cast %parallel_loop3A_177 : vector<16x1xi32> to vector<16xi32>
        %parallel_loop3A_179 = tpu.dynamic_gather %get3A_3[%parallel_loop3A_178] in [0] : vector<16xf32>, vector<16xi32> -> vector<16xf32>
        %parallel_loop3A_180 = arith.index_cast %parallel_loop3A_171 : i32 to index
        %parallel_loop3A_181 = arith.index_cast %parallel_loop3A_173 : i32 to index
        %parallel_loop3A_182 = tpu.vector_load %arg13[%parallel_loop3A_180, %parallel_loop3A_181] {strides = array<i32>} : memref<16x512xf32, #tpu.memory_space<vmem>>, vector<16xf32>,
        tpu.vector_store %arg13[%parallel_loop3A_180, %parallel_loop3A_181], %parallel_loop3A_179 {strides = array<i32>} : memref<16x512xf32, #tpu.memory_space<vmem>>, vector<16xf32>,
      } {sc.loop_unroll_factor = 8 : i64, sc.parallel_access}
      %mul3A_157 = arith.constant 16 : i32
      %mul3A_158 = arith.muli %add3A_141, %mul3A_157 : i32
      %add3A_159 = arith.addi %mul3A_2, %mul3A_158 : i32
      %dma_start3A_160 = arith.constant 0 : i32
      %dma_start3A_161 = tpu.memref_slice %arg4[%add3A_159, %dma_start3A_160] : memref<32768x512xf32, #tpu.memory_space<hbm>> -> memref<16x512xf32, #tpu.memory_space<hbm>>
      %dma_start3A_162 = arith.constant 0 : i32
      %dma_start3A_163 = tpu.memref_slice %arg4[%add3A_159, %dma_start3A_162] : memref<32768x512xf32, #tpu.memory_space<hbm>> -> memref<16x512xf32, #tpu.memory_space<hbm>>
      tpu.enqueue_dma source(%arg13 : memref<16x512xf32, #tpu.memory_space<vmem>>) target(%dma_start3A_163 : memref<16x512xf32, #tpu.memory_space<hbm>>) target_semaphore(%arg21 : memref<!tpu.dma_semaphore, #tpu.memory_space<semaphore_mem>>)
      %lt3A_164 = arith.constant 15 : i32
      %lt3A_165 = arith.cmpi slt, %scan3A_55, %lt3A_164 : i32
      %convert_element_type3A_166 = arith.extui %lt3A_165 : i1 to i32
      %cond3A_167 = arith.constant 0 : i32
      %cond3A_168 = arith.cmpi ne, %convert_element_type3A_166, %cond3A_167 : i32
      scf.if %cond3A_168 {
        %add3A_169 = arith.constant 4 : i32
        %add3A_170 = arith.addi %add3A_141, %add3A_169 : i32
        %mul3A_171 = arith.constant 16 : i32
        %mul3A_172 = arith.muli %add3A_170, %mul3A_171 : i32
        %add3A_173 = arith.addi %mul3A_2, %mul3A_172 : i32
        %dma_start3A_174 = arith.constant 0 : i32
        %dma_start3A_175 = tpu.memref_slice %arg2[%add3A_173, %dma_start3A_174] : memref<32768x512xi32, #tpu.memory_space<hbm>> -> memref<16x512xi32, #tpu.memory_space<hbm>>
        %dma_start3A_176 = arith.constant 0 : i32
        %dma_start3A_177 = tpu.memref_slice %arg2[%add3A_173, %dma_start3A_176] : memref<32768x512xi32, #tpu.memory_space<hbm>> -> memref<16x512xi32, #tpu.memory_space<hbm>>
        tpu.enqueue_dma source(%dma_start3A_177 : memref<16x512xi32, #tpu.memory_space<hbm>>) target(%arg9 : memref<16x512xi32, #tpu.memory_space<vmem>>) target_semaphore(%arg17 : memref<!tpu.dma_semaphore, #tpu.memory_space<semaphore_mem>>)
      } else {
      }
    }
    %scan3A_31 = arith.constant 16 : i32
    %add3A_32 = arith.constant 960 : i32
    %add3A_33 = arith.addi %mul3A_2, %add3A_32 : i32
    %dma_wait3A = arith.constant 0 : i32
    %dma_wait3A_34 = tpu.memref_slice %arg4[%add3A_33, %dma_wait3A] : memref<32768x512xf32, #tpu.memory_space<hbm>> -> memref<16x512xf32, #tpu.memory_space<hbm>>
    %dma_wait3A_35 = arith.constant 0 : i32
    %dma_wait3A_36 = tpu.memref_slice %arg4[%add3A_33, %dma_wait3A_35] : memref<32768x512xf32, #tpu.memory_space<hbm>> -> memref<16x512xf32, #tpu.memory_space<hbm>>
    tpu.wait_dma2 semaphore(%arg18 : memref<!tpu.dma_semaphore, #tpu.memory_space<semaphore_mem>>) src(%arg10 : memref<16x512xf32, #tpu.memory_space<vmem>>) dst(%dma_wait3A_36 : memref<16x512xf32, #tpu.memory_space<hbm>>)
    %add3A_37 = arith.constant 976 : i32
    %add3A_38 = arith.addi %mul3A_2, %add3A_37 : i32
    %dma_wait3A_39 = arith.constant 0 : i32
    %dma_wait3A_40 = tpu.memref_slice %arg4[%add3A_38, %dma_wait3A_39] : memref<32768x512xf32, #tpu.memory_space<hbm>> -> memref<16x512xf32, #tpu.memory_space<hbm>>
    %dma_wait3A_41 = arith.constant 0 : i32
    %dma_wait3A_42 = tpu.memref_slice %arg4[%add3A_38, %dma_wait3A_41] : memref<32768x512xf32, #tpu.memory_space<hbm>> -> memref<16x512xf32, #tpu.memory_space<hbm>>
    tpu.wait_dma2 semaphore(%arg19 : memref<!tpu.dma_semaphore, #tpu.memory_space<semaphore_mem>>) src(%arg11 : memref<16x512xf32, #tpu.memory_space<vmem>>) dst(%dma_wait3A_42 : memref<16x512xf32, #tpu.memory_space<hbm>>)
    %add3A_43 = arith.constant 992 : i32
    %add3A_44 = arith.addi %mul3A_2, %add3A_43 : i32
    %dma_wait3A_45 = arith.constant 0 : i32
    %dma_wait3A_46 = tpu.memref_slice %arg4[%add3A_44, %dma_wait3A_45] : memref<32768x512xf32, #tpu.memory_space<hbm>> -> memref<16x512xf32, #tpu.memory_space<hbm>>
    %dma_wait3A_47 = arith.constant 0 : i32
    %dma_wait3A_48 = tpu.memref_slice %arg4[%add3A_44, %dma_wait3A_47] : memref<32768x512xf32, #tpu.memory_space<hbm>> -> memref<16x512xf32, #tpu.memory_space<hbm>>
    tpu.wait_dma2 semaphore(%arg20 : memref<!tpu.dma_semaphore, #tpu.memory_space<semaphore_mem>>) src(%arg12 : memref<16x512xf32, #tpu.memory_space<vmem>>) dst(%dma_wait3A_48 : memref<16x512xf32, #tpu.memory_space<hbm>>)
    %add3A_49 = arith.constant 1008 : i32
    %add3A_50 = arith.addi %mul3A_2, %add3A_49 : i32
    %dma_wait3A_51 = arith.constant 0 : i32
    %dma_wait3A_52 = tpu.memref_slice %arg4[%add3A_50, %dma_wait3A_51] : memref<32768x512xf32, #tpu.memory_space<hbm>> -> memref<16x512xf32, #tpu.memory_space<hbm>>
    %dma_wait3A_53 = arith.constant 0 : i32
    %dma_wait3A_54 = tpu.memref_slice %arg4[%add3A_50, %dma_wait3A_53] : memref<32768x512xf32, #tpu.memory_space<hbm>> -> memref<16x512xf32, #tpu.memory_space<hbm>>
    tpu.wait_dma2 semaphore(%arg21 : memref<!tpu.dma_semaphore, #tpu.memory_space<semaphore_mem>>) src(%arg13 : memref<16x512xf32, #tpu.memory_space<vmem>>) dst(%dma_wait3A_54 : memref<16x512xf32, #tpu.memory_space<hbm>>)
    return
  }
}

</mosaic_0001>

<sc_bundles>
// kernel: kernel.3.cloned.1.call-start
scs
__scs_entry_jumppad:
0x0: {  	(pc) =	sbr.rel $0x88, $3  }
0x1: {  	(tag) =	ssettag $0x0;
	lr =	simm.s32 $0x1  }
0x2: {  	[smem:$0x3F9F] =	sst lr;
	_ =	strace $0xD0000000  }
0x3: {  	_ = 	snop  }
0x4: {  	_ = 	snop  }
0x5: {  	_ = 	snop  }
0x6: {  	_ = 	snop  }
0x7: {  	_ = 	snop  }
__scs_overlays_trampoline_lowered:
0x8: {  	[smem:$0x3FAE] =	sst s0  }
0x9: {  	[smem:$0x3FAF] =	sst s1  }
0xa: {  	[smem:$0x3FB0] =	sst s2  }
0xb: {  	[smem:$0x3FB1] =	sst s3  }
0xc: {  	[smem:$0x3FB2] =	sst s4  }
0xd: {  	[smem:$0x3FB3] =	sst s5  }
0xe: {  	[smem:$0x3FB4] =	sst s6  }
0xf: {  	[smem:$0x3FB5] =	sst s7  }
0x10: {  	[smem:$0x3FB6] =	sst s8  }
0x11: {  	[smem:$0x3FB7] =	sst s9;
	s0 =	simm.s32 @!p0 $0x0  }
0x12: {  	s1 =	sld [smem:$0x3F9D];
	s0 =	simm.s32 @p0 $0x1  }
0x13: {  	[smem:$0x3FB8] =	sst s0;
	s0 =	simm.s32 @!p1 $0x0  }
0x14: {  	s2 =	sld [smem:$0x3F9C];
	s0 =	simm.s32 @p1 $0x1  }
0x15: {  	[smem:$0x3FB9] =	sst s0;
	s0 =	simm.s32 @!p2 $0x0  }
0x16: {  	s3 =	sld [smem:$0x3FDB];
	s0 =	simm.s32 @p2 $0x1  }
0x17: {  	s4 =	simm.s32 $0x1BF5;
	[smem:$0x3FBB] =	sst s0  }
0x18: {  	s0 =	sld [smem:$0x3F9E];
	_ =	swait.ge [sflag:s4], $0x0  }
0x19: {  	s7 =	sld [smem:$0x3F9F]  }
0x1a: {  	s8 =	sadd.s32 $0xFFFFE003, lr  }
0x1b: {  	s9 =	sadd.s32 $0xFFFFFEF7, lr;
	s5 =	simm.s32 $0xFFFFFFFF;
	p2 =	slt.u32 s8, $0xFFFFF086  }
0x1c: {  	p1 =	slt.u32 s9, $0xF7A;
	s5 =	simm.s32 @!p2 $0x0  }
0x1d: {  	s5 =	simm.s32 @p1 $0x1;
	p0 =	seq.s32 s7, s2  }
0x1e: {  	s7 =	smul.u32 @!p0 $0xF7A, s2;
	p2 =	seq.s32 @!p0 s5, $0x0  }
0x1f: {  	s9 =	smul.u32 $0xF7A, s1;
	s8 =	simm.s32 @!p0 $0x1BF5;
	p2 =	por !p2, p0  }
0x20: {  	[sflag:s8] =	ssyncset.s32 @!p0 $0xFFFFF086;
	s6 =	sadd.s32 @!p0 s3, s7;
	s7 =	simm.s32 @!p0 $0x108  }
0x21: {  	s3 =	sadd.s32 s3, s9;
	s6 =	sadd.s32 @!p0 $0x88, s6;
	s7 =	simm.s32 @p2 $0x1082  }
0x22: {  	[simem:s7], [sflag:s8] =	dma.local @!p0 [hbm:s6], $0xF7A  }
0x23: {  	s9 =	sor.u32 $0xD0000000, s2;
	s6 =	simm.s32 $0x108;
	_ =	swait.ge @!p0 [sflag:s8], $0x0  }
0x24: {  	s3 =	sadd.s32 $0x88, s3;
	s6 =	simm.s32 @!p1 $0x1082;
	[sflag:s4] =	ssyncset.s32 $0xFFFFF086  }
0x25: {  	[simem:s6], [sflag:s4] =	dma.local [hbm:s3], $0xF7A  }
0x26: {  	[smem:$0x3F9F] =	sst s1;
	(tag) =	ssettag s2;
	_ =	strace s9  }
0x27: {  	s1 =	sld [smem:$0x3FAF]  }
0x28: {  	s2 =	sld [smem:$0x3FB0]  }
0x29: {  	s4 =	sld [smem:$0x3FB2]  }
0x2a: {  	p0 =	seq.s32 s5, $0x0;
	s5 =	sld [smem:$0x3FB3]  }
0x2b: {  	s6 =	sld [smem:$0x3FB4]  }
0x2c: {  	s7 =	sld [smem:$0x3FB5]  }
0x2d: {  	s3 =	simm.s32 $0x108;
	s8 =	sld [smem:$0x3FB6]  }
0x2e: {  	s3 =	simm.s32 @!p0 $0x1082;
	s9 =	sld [smem:$0x3FB7]  }
0x2f: {  	lr =	sadd.s32 s0, s3;
	s0 =	sld [smem:$0x3FAE]  }
0x30: {  	s3 =	sld [smem:$0x3FB1]  }
0x31: {  	[smem:$0x3FBA] =	sst s10  }
0x32: {  	s10 =	sld [smem:$0x3FB8];
	_ =	sdelay $0x3  }
0x33: {  	p0 =	seq.s32 s10, $0x1;
	s10 =	sld [smem:$0x3FBA];
	_ =	sdelay $0x3  }
0x34: {  	[smem:$0x3FBA] =	sst s10  }
0x35: {  	s10 =	sld [smem:$0x3FB9];
	_ =	sdelay $0x3  }
0x36: {  	p1 =	seq.s32 s10, $0x1;
	s10 =	sld [smem:$0x3FBA];
	_ =	sdelay $0x3  }
0x37: {  	[smem:$0x3FBA] =	sst s10  }
0x38: {  	s10 =	sld [smem:$0x3FBB]  }
0x39: {  	_ = 	snop;
	(pc) =	sbr.ind lr, $3  }
0x3a: {  	_ = 	snop  }
0x3b: {  	_ = 	snop  }
0x3c: {  	p2 =	seq.s32 s10, $0x1;
	s10 =	sld [smem:$0x3FBA]  }
0x3d: {  	_ =	shalt  }
0x3e: {  	_ =	shalt  }
0x3f: {  	_ =	shalt  }
0x40: {  	_ =	shalt  }
0x41: {  	_ =	shalt  }
0x42: {  	_ =	shalt  }
0x43: {  	_ =	shalt  }
0x44: {  	_ =	shalt  }
0x45: {  	_ =	shalt  }
0x46: {  	_ =	shalt  }
0x47: {  	_ =	shalt  }
0x48: {  	_ =	shalt  }
0x49: {  	_ =	shalt  }
0x4a: {  	_ =	shalt  }
0x4b: {  	_ =	shalt  }
0x4c: {  	_ =	shalt  }
0x4d: {  	_ =	shalt  }
0x4e: {  	_ =	shalt  }
0x4f: {  	_ =	shalt  }
0x50: {  	_ =	shalt  }
0x51: {  	_ =	shalt  }
0x52: {  	_ =	shalt  }
0x53: {  	_ =	shalt  }
0x54: {  	_ =	shalt  }
0x55: {  	_ =	shalt  }
0x56: {  	_ =	shalt  }
0x57: {  	_ =	shalt  }
0x58: {  	_ =	shalt  }
0x59: {  	_ =	shalt  }
0x5a: {  	_ =	shalt  }
0x5b: {  	_ =	shalt  }
0x5c: {  	_ =	shalt  }
0x5d: {  	_ =	shalt  }
0x5e: {  	_ =	shalt  }
0x5f: {  	_ =	shalt  }
0x60: {  	_ =	shalt  }
0x61: {  	_ =	shalt  }
0x62: {  	_ =	shalt  }
0x63: {  	_ =	shalt  }
0x64: {  	_ =	shalt  }
0x65: {  	_ =	shalt  }
0x66: {  	_ =	shalt  }
0x67: {  	_ =	shalt  }
0x68: {  	_ =	shalt  }
0x69: {  	_ =	shalt  }
0x6a: {  	_ =	shalt  }
0x6b: {  	_ =	shalt  }
0x6c: {  	_ =	shalt  }
0x6d: {  	_ =	shalt  }
0x6e: {  	_ =	shalt  }
0x6f: {  	_ =	shalt  }
0x70: {  	_ =	shalt  }
0x71: {  	_ =	shalt  }
0x72: {  	_ =	shalt  }
0x73: {  	_ =	shalt  }
0x74: {  	_ =	shalt  }
0x75: {  	_ =	shalt  }
0x76: {  	_ =	shalt  }
0x77: {  	_ =	shalt  }
0x78: {  	_ =	shalt  }
0x79: {  	_ =	shalt  }
0x7a: {  	_ =	shalt  }
0x7b: {  	_ =	shalt  }
0x7c: {  	_ =	shalt  }
0x7d: {  	_ =	shalt  }
0x7e: {  	_ =	shalt  }
0x7f: {  	_ =	shalt  }
0x80: {  	_ =	shalt  }
0x81: {  	_ =	shalt  }
0x82: {  	_ =	shalt  }
0x83: {  	_ =	shalt  }
0x84: {  	_ =	shalt  }
0x85: {  	_ =	shalt  }
0x86: {  	_ =	shalt  }
0x87: {  	_ =	shalt  }
.Lfunc_end0:
.L_simem_size_0:
called_computation_lowered:
.L_overlay_start_0:
0x88: {  	s2 =	sld [smem:$0x3FD9]  }
0x89: {  	s3 =	sld [smem:$0x3FFE];
	_ =	sdelay $0x1  }
0x8a: {  	s1 =	srdreg.scid  }
0x8b: {  	s0 =	sand.u32 $0x1, s1  }
0x8c: {  	s17 =	sshll.u32 s0, $0xA;
	s2 =	sadd.s32 s3, s2  }
0x8d: {  	s2 =	sadd.s32 s2, s17  }
0x8e: {  	[smem:$0x3FC6] =	sst s2  }
0x8f: {  	_ = 	snop  }
0x90: {  	s2 =	sld [smem:$0x3FC9]  }
0x91: {  	s18 =	sld [smem:$0x3FD0];
	(tm) =	ssettm $0x1  }
0x92: {  	s4 =	sld [smem:$0x3FFB];
	_ =	sdelay $0x3  }
0x93: {  	_ =	strace s4  }
0x94: {  	s4 =	sld [smem:$0x3FFC];
	_ =	sdelay $0x3  }
0x95: {  	_ =	strace s4  }
0x96: {  	s4 =	sld [smem:$0x3FFD];
	_ =	sdelay $0x3  }
0x97: {  	_ =	strace s4  }
0x98: {  	_ =	strace $0x8FFFFFFF  }
0x99: {  	s19 =	sld [smem:$0x3FDB];
	_ =	sdelay $0x1  }
0x9a: {  	s5 =	simm.s32 $_scs_section_size  }
0x9b: {  	s6 =	simm.s32 $_size__tile_overlayer_lowered;
	s7 =	simm.s32 $_tile_overlayer_lowered  }
0x9c: {  	s22 =	simm.s32 $0x1BFF;
	s21 =	sshll.u32 s7, $0x1;
	s4 =	sadd.s32 s5, s19  }
0x9d: {  	s8 =	simm.s32 $0x0;
	s20 =	sshll.u32 s6, $0x1;
	s6 =	sadd.s32 s21, s4  }
0x9e: {  	[timem:s8], [sflag:s22] =	dma.local [hbm:s6], s20  }
0x9f: {  	_ =	swait.ge [sflag:s22], s20  }
0xa0: {  	s5 =	ssub.s32 $0x0, s20;
	[sflag:s22] =	ssyncset.done $0x0  }
0xa1: {  	[sflag:s22] =	ssyncadd.s32 s5;
	_ =	sdelay $0x1  }
0xa2: {  	s23 =	simm.s32 $0x1B8B  }
0xa3: {  	_ =	swait.ge [sflag:s23], $0x1  }
0xa4: {  	[sflag:s23] =	ssyncset.done $0x0  }
0xa5: {  	s25 =	simm.s32 $0x1B8E;
	s24 =	sld [smem:$0x3FFE];
	[sflag:s23] =	ssyncadd.s32 $0xFFFFFFFF  }
0xa6: {  	s26 =	simm.s32 $execute0_lowered;
	[smem:$0x3FD2] =	sst s25  }
0xa7: {  	s6 =	sshll.u32 s26, $0x1;
	_ =	strace $0x80000046;
	[dreg:$0x1] =	wrdreg $0xFFFFFFFF  }
0xa8: {  	s28 =	simm.s32 $_size_execute0_lowered;
	s4 =	sadd.s32 s4, s6;
	[dreg:$0x0] =	wrdreg $0x0  }
0xa9: {  	s6 =	sshll.u32 s28, $0x1;
	[dreg:$0x2] =	wrdreg s4  }
0xaa: {  	[dreg:$0x3] =	wrdreg s6  }
0xab: {  	[dreg:$0x4] =	wrdreg $0xC0  }
0xac: {  	_ =	task [dreg:s8], $0x5FFFF  }
0xad: {  	[dreg:$0x1] =	wrdreg $0xFFFFFFFF  }
0xae: {  	[dreg:$0x0] =	wrdreg $0x60  }
0xaf: {  	[dreg:$0x2] =	wrdreg s2  }
0xb0: {  	[dreg:$0x3] =	wrdreg s24  }
0xb1: {  	[dreg:$0x4] =	wrdreg s18  }
0xb2: {  	[dreg:$0x5] =	wrdreg $0x9  }
0xb3: {  	_ =	task.clear_ibuf [dreg:s8], $0x6FFFF;
	_ =	strace $0x90000046  }
0xb4: {  	s29 =	simm.s32 $0x9;
	_ =	strace $0x80000048  }
0xb5: {  	_ =	swait.ge [sflag:s29], $0x1  }
0xb6: {  	[sflag:s29] =	ssyncadd.s32 $0xFFFFFFFF  }
0xb7: {  	_ =	strace $0x90000048  }
0xb8: {  	_ =	sfence  }
0xb9: {  	s30 =	sld [smem:$0x0];
	_ =	sdelay $0x2  }
0xba: {  	s31 =	sshll.u32 s1, $0xD;
	s1 =	sshrl.u32 s1, $0x2  }
0xbb: {  	s3 =	sand.u32 $0x4000, s31;
	s1 =	sadd.s32 s1, s30  }
0xbc: {  	s0 =	sor.u32 s3, s0;
	s1 =	sshll.u32 s1, $0x11  }
0xbd: {  	s0 =	sor.u32 s1, s0  }
0xbe: {  	s0 =	sadd.s32 $0x8F2B, s0  }
0xbf: {  	[sflag:s0] =	ssyncadd.remote.s32 $0x1  }
0xc0: {  	_ =	sfence.sel $0xFFFF  }
0xc1: {  	[dreg:$0x0] =	wrdreg $0xFFFFFFFF;
	(pc) =	sbr.abs _section_cstart, $3  }
0xc2: {  	[dreg:$0x1] =	wrdreg $0xFFFFFFFF  }
0xc3: {  	_ =	task.clear_ibuf [dreg:s8], $0x2FFFF;
	_ =	strace $0x9FFFFFFF  }
0xc4: {  	(tm) =	ssettm $0x7FFFFFFF  }
0xc5: {  	_ =	shalt  }
tec
execute0_lowered:
.L_overlay_start_1:
0x0: {  	(tag) =	ssettag $0x1  }
0x1: {  	s1 =	rddreg [dreg:$0x0]  }
0x2: {  	s0 =	rddreg [dreg:$0x1]  }
0x3: {  	s3 =	rddreg [dreg:$0x2]  }
0x4: {  	s2 =	srdreg.scid;
	s5 =	stileid.u32;
	s4 =	simm.s32 $0x0  }
0x5: {  	s21 =	simm.s32 $0x6080;
	s22 =	simm.s32 $0x1;
	s28 =	simm.s32 $0xC080  }
0x6: {  	s29 =	simm.s32 $0x4;
	s30 =	simm.s32 $0xE080;
	s18 =	simm.s32 $0x8  }
0x7: {  	s19 =	simm.s32 $0x0;
	s2 =	sand.u32 $0x1, s2;
	s5 =	sshll.u32 s5, $0xB  }
0x8: {  	[smem:$0x7FF] =	sst s4;
	s0 =	sadd.s32 $0x400, s0;
	s6 =	sshll.u32 s2, $0xA  }
0x9: {  	s2 =	ssub.s32 $0x2, s2;
	_ =	strace $0x80000047;
	s5 =	sor.u32 s6, s5  }
0xa: {  	[dreg:$0x4] =	wrdreg s0;
	s23 =	sshrl.u32 s2, $0x1;
	s7 =	sshll.u32 s5, $0x6  }
0xb: {  	s24 =	ssub.s32 s2, s23;
	s12 =	sor.u32 $0x40, s5;
	s13 =	sor.u32 $0x50, s5  }
0xc: {  	s14 =	sor.u32 $0x60, s5;
	s15 =	sor.u32 $0x70, s5;
	s25 =	sadd.s32 s1, s7  }
.Ltmp0:
0xd: {  	s0 =	smax.u32 s24, $0x1;
	[dreg:$0x5] =	wrdreg s25;
	(pc) =	sbr.rel .LBB2_1-.Ltmp0, $4  }
0xe: {  	s23 =	simm.s32 $0x8080;
	s26 =	sadd.s32 $0x400, s25;
	[dreg:$0x9] =	wrdreg s0  }
0xf: {  	s11 =	sadd.s32 s3, s7;
	s31 =	sadd.s32 $0x800, s25;
	[dreg:$0x6] =	wrdreg s26  }
0x10: {  	s24 =	simm.s32 $0x2;
	s2 =	sadd.s32 $0xC00, s25;
	[dreg:$0x7] =	wrdreg s31  }
0x11: {  	s25 =	simm.s32 $0xA080;
	[dreg:$0x8] =	wrdreg s2;
	s26 =	simm.s32 $0x3  }
.LBB2_12:
0x12: {  	s0 =	simm.s32 $0x5  }
0x13: {  	_ =	swait.ge [sflag:s0], $0x2000  }
0x14: {  	[sflag:s0] =	ssyncset.done $0x0  }
0x15: {  	s17 =	simm.s32 $0x6;
	[sflag:s0] =	ssyncadd.s32 $0xFFFFE000  }
0x16: {  	_ =	swait.ge [sflag:s17], $0x2000  }
0x17: {  	[sflag:s17] =	ssyncset.done $0x0  }
0x18: {  	s20 =	simm.s32 $0x7;
	[sflag:s17] =	ssyncadd.s32 $0xFFFFE000  }
0x19: {  	_ =	swait.ge [sflag:s20], $0x2000  }
0x1a: {  	[sflag:s20] =	ssyncset.done $0x0  }
0x1b: {  	[sflag:s20] =	ssyncadd.s32 $0xFFFFE000  }
0x1c: {  	_ =	swait.ge [sflag:s18], $0x2000  }
0x1d: {  	s19 =	sadd.s32 $0x1, s19;
	s31 =	rddreg [dreg:$0x9]  }
0x1e: {  	p0 =	sne.s32 s19, s31  }
.Ltmp1:
0x1f: {  	_ = 	snop;
	(pc) =	sbr.rel @!p0 .LBB2_13-.Ltmp1, $3  }
0x20: {  	_ =	sdelay $0x1  }
0x21: {  	[sflag:s18] =	ssyncset.done $0x0  }
0x22: {  	[sflag:s18] =	ssyncadd.s32 $0xFFFFE000  }
.LBB2_1:
0x23: {  	s0 =	rddreg [dreg:$0x4];
	s8 =	simm.s32 $0x9  }
0x24: {  	[tilespmem:s4], [sflag:$0x9] =	stream.linear.gather [hbm4b:s0+s4], $0x80, $0x38;
	[tilespmem:$0x10080] =	vst v63  }
0x25: {  	_ =	swait.ge [sflag:s8], $0x80  }
0x26: {  	[sflag:s8] =	ssyncset.done $0x0  }
0x27: {  	s2 =	simm.s32 $0x80;
	s9 =	rddreg [dreg:$0x5];
	[sflag:s8] =	ssyncadd.s32 $0xFFFFFF80  }
0x28: {  	v0 =	vld [tilespmem:$0x0];
	[tilespmem:s2], [sflag:$0x1] =	stream.linear.gather [hbm4b:s9+s4], $0x2000, $0x38  }
0x29: {  	s16 =	simm.s32 $0x2080;
	s10 =	rddreg [dreg:$0x6]  }
0x2a: {  	[tilespmem:s16], [sflag:$0x2] =	stream.linear.gather [hbm4b:s10+s4], $0x2000, $0x38;
	[tilespmem:$0x10080] =	vst v63  }
0x2b: {  	s20 =	simm.s32 $0x4080;
	s17 =	rddreg [dreg:$0x7]  }
0x2c: {  	[tilespmem:s20], [sflag:$0x3] =	stream.linear.gather [hbm4b:s17+s4], $0x2000, $0x38;
	[tilespmem:$0x10080] =	vst v63  }
0x2d: {  	s31 =	rddreg [dreg:$0x8];
	s20 =	simm.s32 $0x0  }
0x2e: {  	[tilespmem:s21], [sflag:$0x4] =	stream.linear.gather [hbm4b:s31+s4], $0x2000, $0x38;
	[tilespmem:$0x10080] =	vst v63  }
.LBB2_2:
0x2f: {  	_ =	swait.ge [sflag:s22], $0x2000  }
0x30: {  	p0 =	seq.s32 s20, $0x0;
	s7 =	simm.s32 $0x0;
	[sflag:s22] =	ssyncset.done $0x0  }
0x31: {  	s8 =	simm.s32 $0x0;
	s6 =	simm.s32 @!p0 $0x5;
	[sflag:s22] =	ssyncadd.s32 $0xFFFFE000  }
0x32: {  	s8 =	sand.u32 $0x1000, s8;
	s9 =	sand.u32 $0xC00, s7;
	_ =	swait.ge @!p0 [sflag:s6], $0x2000  }
0x33: {  	s7 =	sand.u32 $0x380, s7;
	s8 =	sor.u32 s8, s9;
	[sflag:s6] =	ssyncset.done @!p0 $0x0  }
0x34: {  	s9 =	sor.u32 s7, s8;
	[sflag:s6] =	ssyncadd.s32 @!p0 $0xFFFFE000  }
0x35: {  	v1 =	vld [tilespmem:s9+$0xF0]  }
0x36: {  	v2 =	vld [tilespmem:s9+$0x80]  }
0x37: {  	v3 =	vld [tilespmem:s9+$0x90]  }
0x38: {  	v6 =	vld [tilespmem:s9+$0xA0]  }
0x39: {  	s10 =	simm.s32 $0x400;
	s7 =	simm.s32 $0x80;
	v7 =	vld [tilespmem:s9+$0xB0]  }
0x3a: {  	s16 =	simm.s32 $0x20;
	s17 =	sand.u32 $0xC00, s10;
	s8 =	sand.u32 $0x1000, s7;
	v8 =	vld [tilespmem:s9+$0xC0];
	v1 =	vperm.xlane v0, v1  }
0x3b: {  	s31 =	sand.u32 $0x380, s16;
	s6 =	sor.u32 s8, s17;
	v9 =	vld [tilespmem:s9+$0xD0];
	v2 =	vperm.xlane v0, v2  }
0x3c: {  	s8 =	sor.u32 s31, s6;
	v4 =	vld [tilespmem:s9+$0xE0];
	v3 =	vperm.xlane v0, v3;
	[tilespmem:s9+$0x80F0] =	vst v1  }
0x3d: {  	v5 =	vld [tilespmem:s8+$0xF0];
	[tilespmem:s9+$0x8080] =	vst v2;
	v1 =	vperm.xlane v0, v6  }
0x3e: {  	v2 =	vld [tilespmem:s8+$0x80];
	[tilespmem:s9+$0x8090] =	vst v3;
	v6 =	vperm.xlane v0, v7  }
0x3f: {  	v3 =	vld [tilespmem:s8+$0x90];
	v7 =	vperm.xlane v0, v8;
	[tilespmem:s9+$0x80A0] =	vst v1  }
0x40: {  	s6 =	sshll.u32 s20, $0x6;
	v1 =	vld [tilespmem:s8+$0xA0];
	[tilespmem:s9+$0x80B0] =	vst v6;
	v6 =	vperm.xlane v0, v9  }
.LBB2_3:
0x41: {  	s7 =	sadd.s32 $0x80, s7;
	v8 =	vld [tilespmem:s8+$0xB0];
	s10 =	sadd.s32 $0x400, s10;
	[tilespmem:s9+$0x80C0] =	vst v7;
	v4 =	vperm.xlane v0, v4  }
0x42: {  	s16 =	sadd.s32 $0x20, s16;
	s17 =	sand.u32 $0x1000, s7;
	s31 =	sand.u32 $0xC00, s10;
	v7 =	vld [tilespmem:s8+$0xC0];
	v5 =	vperm.xlane v0, v5;
	[tilespmem:s9+$0x80D0] =	vst v6  }
0x43: {  	p1 =	slt.u32 s7, $0x1F80;
	s17 =	sor.u32 s17, s31;
	s31 =	sand.u32 $0x380, s16;
	v2 =	vperm.xlane v0, v2;
	v6 =	vld [tilespmem:s8+$0xD0];
	[tilespmem:s9+$0x80E0] =	vst v4  }
.Ltmp2:
0x44: {  	s9 =	smov.u32 s8;
	v3 =	vperm.xlane v0, v3;
	v4 =	vld [tilespmem:s8+$0xE0];
	[tilespmem:s8+$0x80F0] =	vst v5;
	s8 =	sor.u32 s31, s17;
	(pc) =	sbr.rel @p1 .LBB2_3-.Ltmp2, $4  }
0x45: {  	v5 =	vld [tilespmem:s8+$0xF0];
	[tilespmem:s9+$0x8080] =	vst v2;
	v1 =	vperm.xlane v0, v1  }
0x46: {  	v2 =	vld [tilespmem:s8+$0x80];
	[tilespmem:s9+$0x8090] =	vst v3;
	v8 =	vperm.xlane v0, v8  }
0x47: {  	v3 =	vld [tilespmem:s8+$0x90];
	[tilespmem:s9+$0x80A0] =	vst v1;
	v7 =	vperm.xlane v0, v7  }
0x48: {  	v1 =	vld [tilespmem:s8+$0xA0];
	[tilespmem:s9+$0x80B0] =	vst v8;
	v6 =	vperm.xlane v0, v6  }
0x49: {  	v8 =	vld [tilespmem:s8+$0xB0];
	[tilespmem:s9+$0x80C0] =	vst v7;
	v4 =	vperm.xlane v0, v4  }
0x4a: {  	v7 =	vld [tilespmem:s8+$0xC0];
	v5 =	vperm.xlane v0, v5;
	[tilespmem:s9+$0x80D0] =	vst v6  }
0x4b: {  	v6 =	vld [tilespmem:s8+$0xD0];
	v2 =	vperm.xlane v0, v2;
	[tilespmem:s9+$0x80E0] =	vst v4  }
0x4c: {  	v4 =	vld [tilespmem:s8+$0xE0];
	v3 =	vperm.xlane v0, v3;
	[tilespmem:s8+$0x80F0] =	vst v5  }
0x4d: {  	[tilespmem:s8+$0x8080] =	vst v2;
	v1 =	vperm.xlane v0, v1  }
0x4e: {  	[tilespmem:s8+$0x8090] =	vst v3;
	v2 =	vperm.xlane v0, v8  }
0x4f: {  	[tilespmem:s8+$0x80A0] =	vst v1;
	v1 =	vperm.xlane v0, v7  }
0x50: {  	[tilespmem:s8+$0x80B0] =	vst v2;
	v2 =	vperm.xlane v0, v6  }
0x51: {  	[tilespmem:s8+$0x80C0] =	vst v1;
	v1 =	vperm.xlane v0, v4  }
0x52: {  	s7 =	sshll.u32 s20, $0xC;
	[tilespmem:s8+$0x80D0] =	vst v2  }
0x53: {  	p1 =	seq.s32 s20, $0xF;
	s7 =	sadd.s32 s7, s11;
	[tilespmem:s8+$0x80E0] =	vst v1  }
0x54: {  	[hbm4b:s7+s4] =	stream.linear.scatter [tilespmem:s23], [sflag:$0x5], $0x2000, $0x38;
	[tilespmem:$0x10080] =	vst v63  }
0x55: {  	s7 =	sadd.s32 @!p1 s6, s12  }
0x56: {  	s7 =	sshll.u32 @!p1 s7, $0x6  }
0x57: {  	s9 =	simm.s32 @!p1 $0x80;
	s8 =	simm.s32 @!p1 $0x0;
	s7 =	sadd.s32 @!p1 s1, s7  }
0x58: {  	[tilespmem:s9], [sflag:$0x1] =	stream.linear.gather @!p1 [hbm4b:s7+s8], $0x2000, $0x38;
	[tilespmem:$0x10080] =	vst v63  }
0x59: {  	_ =	swait.ge [sflag:s24], $0x2000  }
0x5a: {  	s16 =	simm.s32 $0x0;
	[sflag:s24] =	ssyncset.done $0x0  }
0x5b: {  	s17 =	simm.s32 $0x0;
	s7 =	simm.s32 @!p0 $0x6;
	[sflag:s24] =	ssyncadd.s32 $0xFFFFE000  }
0x5c: {  	s10 =	sand.u32 $0xC00, s16;
	s9 =	sand.u32 $0x1000, s17;
	_ =	swait.ge @!p0 [sflag:s7], $0x2000  }
0x5d: {  	s8 =	sand.u32 $0x380, s16;
	s9 =	sor.u32 s9, s10;
	[sflag:s7] =	ssyncset.done @!p0 $0x0  }
0x5e: {  	s10 =	sor.u32 s8, s9;
	[sflag:s7] =	ssyncadd.s32 @!p0 $0xFFFFE000  }
0x5f: {  	v1 =	vld [tilespmem:s10+$0x20F0]  }
0x60: {  	v2 =	vld [tilespmem:s10+$0x2080]  }
0x61: {  	v3 =	vld [tilespmem:s10+$0x2090]  }
0x62: {  	v6 =	vld [tilespmem:s10+$0x20A0]  }
0x63: {  	s16 =	simm.s32 $0x80;
	s17 =	simm.s32 $0x400;
	v7 =	vld [tilespmem:s10+$0x20B0]  }
0x64: {  	s31 =	simm.s32 $0x20;
	s0 =	sand.u32 $0x1000, s16;
	s2 =	sand.u32 $0xC00, s17;
	v8 =	vld [tilespmem:s10+$0x20C0];
	v1 =	vperm.xlane v0, v1  }
0x65: {  	s9 =	sand.u32 $0x380, s31;
	s7 =	sor.u32 s0, s2;
	v9 =	vld [tilespmem:s10+$0x20D0];
	v2 =	vperm.xlane v0, v2  }
0x66: {  	s9 =	sor.u32 s9, s7;
	v4 =	vld [tilespmem:s10+$0x20E0];
	v3 =	vperm.xlane v0, v3;
	[tilespmem:s10+$0xA0F0] =	vst v1  }
0x67: {  	v5 =	vld [tilespmem:s9+$0x20F0];
	[tilespmem:s10+$0xA080] =	vst v2;
	v1 =	vperm.xlane v0, v6  }
0x68: {  	v2 =	vld [tilespmem:s9+$0x2080];
	[tilespmem:s10+$0xA090] =	vst v3;
	v6 =	vperm.xlane v0, v7  }
0x69: {  	s8 =	sadd.s32 s6, s5;
	v3 =	vld [tilespmem:s9+$0x2090];
	v7 =	vperm.xlane v0, v8;
	[tilespmem:s10+$0xA0A0] =	vst v1  }
0x6a: {  	s7 =	sadd.s32 $0x10, s8;
	v1 =	vld [tilespmem:s9+$0x20A0];
	[tilespmem:s10+$0xA0B0] =	vst v6;
	v6 =	vperm.xlane v0, v9  }
.LBB2_5:
0x6b: {  	s16 =	sadd.s32 $0x80, s16;
	v8 =	vld [tilespmem:s9+$0x20B0];
	s17 =	sadd.s32 $0x400, s17;
	[tilespmem:s10+$0xA0C0] =	vst v7;
	v4 =	vperm.xlane v0, v4  }
0x6c: {  	s31 =	sadd.s32 $0x20, s31;
	s0 =	sand.u32 $0x1000, s16;
	s2 =	sand.u32 $0xC00, s17;
	v7 =	vld [tilespmem:s9+$0x20C0];
	v5 =	vperm.xlane v0, v5;
	[tilespmem:s10+$0xA0D0] =	vst v6  }
0x6d: {  	p2 =	slt.u32 s16, $0x1F80;
	s0 =	sor.u32 s0, s2;
	s2 =	sand.u32 $0x380, s31;
	v2 =	vperm.xlane v0, v2;
	v6 =	vld [tilespmem:s9+$0x20D0];
	[tilespmem:s10+$0xA0E0] =	vst v4  }
.Ltmp3:
0x6e: {  	s10 =	smov.u32 s9;
	v3 =	vperm.xlane v0, v3;
	v4 =	vld [tilespmem:s9+$0x20E0];
	[tilespmem:s9+$0xA0F0] =	vst v5;
	s9 =	sor.u32 s2, s0;
	(pc) =	sbr.rel @p2 .LBB2_5-.Ltmp3, $4  }
0x6f: {  	v5 =	vld [tilespmem:s9+$0x20F0];
	[tilespmem:s10+$0xA080] =	vst v2;
	v1 =	vperm.xlane v0, v1  }
0x70: {  	v2 =	vld [tilespmem:s9+$0x2080];
	[tilespmem:s10+$0xA090] =	vst v3;
	v8 =	vperm.xlane v0, v8  }
0x71: {  	v3 =	vld [tilespmem:s9+$0x2090];
	[tilespmem:s10+$0xA0A0] =	vst v1;
	v7 =	vperm.xlane v0, v7  }
0x72: {  	v1 =	vld [tilespmem:s9+$0x20A0];
	[tilespmem:s10+$0xA0B0] =	vst v8;
	v6 =	vperm.xlane v0, v6  }
0x73: {  	v8 =	vld [tilespmem:s9+$0x20B0];
	[tilespmem:s10+$0xA0C0] =	vst v7;
	v4 =	vperm.xlane v0, v4  }
0x74: {  	v7 =	vld [tilespmem:s9+$0x20C0];
	v5 =	vperm.xlane v0, v5;
	[tilespmem:s10+$0xA0D0] =	vst v6  }
0x75: {  	v6 =	vld [tilespmem:s9+$0x20D0];
	v2 =	vperm.xlane v0, v2;
	[tilespmem:s10+$0xA0E0] =	vst v4  }
0x76: {  	v4 =	vld [tilespmem:s9+$0x20E0];
	v3 =	vperm.xlane v0, v3;
	[tilespmem:s9+$0xA0F0] =	vst v5  }
0x77: {  	[tilespmem:s9+$0xA080] =	vst v2;
	v1 =	vperm.xlane v0, v1  }
0x78: {  	[tilespmem:s9+$0xA090] =	vst v3;
	v2 =	vperm.xlane v0, v8  }
0x79: {  	[tilespmem:s9+$0xA0A0] =	vst v1;
	v1 =	vperm.xlane v0, v7  }
0x7a: {  	[tilespmem:s9+$0xA0B0] =	vst v2;
	v2 =	vperm.xlane v0, v6  }
0x7b: {  	[tilespmem:s9+$0xA0C0] =	vst v1;
	v1 =	vperm.xlane v0, v4  }
0x7c: {  	s0 =	sshll.u32 s7, $0x6;
	[tilespmem:s9+$0xA0D0] =	vst v2  }
0x7d: {  	s0 =	sadd.s32 s3, s0;
	[tilespmem:s9+$0xA0E0] =	vst v1  }
0x7e: {  	[hbm4b:s0+s4] =	stream.linear.scatter [tilespmem:s25], [sflag:$0x6], $0x2000, $0x38;
	[tilespmem:$0x10080] =	vst v63  }
0x7f: {  	s0 =	sadd.s32 @!p1 s6, s13  }
0x80: {  	s0 =	sshll.u32 @!p1 s0, $0x6  }
0x81: {  	s2 =	simm.s32 @!p1 $0x0;
	s7 =	simm.s32 @!p1 $0x2080;
	s0 =	sadd.s32 @!p1 s1, s0  }
0x82: {  	[tilespmem:s7], [sflag:$0x2] =	stream.linear.gather @!p1 [hbm4b:s0+s2], $0x2000, $0x38;
	[tilespmem:$0x10080] =	vst v63  }
0x83: {  	_ =	swait.ge [sflag:s26], $0x2000  }
0x84: {  	s16 =	simm.s32 $0x0;
	[sflag:s26] =	ssyncset.done $0x0  }
0x85: {  	s10 =	simm.s32 $0x0;
	s0 =	simm.s32 @!p0 $0x7;
	[sflag:s26] =	ssyncadd.s32 $0xFFFFE000  }
0x86: {  	s17 =	sand.u32 $0xC00, s10;
	s7 =	sand.u32 $0x1000, s16;
	_ =	swait.ge @!p0 [sflag:s0], $0x2000  }
0x87: {  	s2 =	sand.u32 $0x380, s10;
	s7 =	sor.u32 s7, s17;
	[sflag:s0] =	ssyncset.done @!p0 $0x0  }
0x88: {  	s10 =	sor.u32 s2, s7;
	[sflag:s0] =	ssyncadd.s32 @!p0 $0xFFFFE000  }
0x89: {  	v1 =	vld [tilespmem:s10+$0x40F0]  }
0x8a: {  	v2 =	vld [tilespmem:s10+$0x4080]  }
0x8b: {  	v3 =	vld [tilespmem:s10+$0x4090]  }
0x8c: {  	v6 =	vld [tilespmem:s10+$0x40A0]  }
0x8d: {  	s16 =	simm.s32 $0x80;
	s17 =	simm.s32 $0x400;
	v7 =	vld [tilespmem:s10+$0x40B0]  }
0x8e: {  	s31 =	simm.s32 $0x20;
	s2 =	sand.u32 $0x1000, s16;
	s7 =	sand.u32 $0xC00, s17;
	v8 =	vld [tilespmem:s10+$0x40C0];
	v1 =	vperm.xlane v0, v1  }
0x8f: {  	s9 =	sand.u32 $0x380, s31;
	s0 =	sor.u32 s2, s7;
	v9 =	vld [tilespmem:s10+$0x40D0];
	v2 =	vperm.xlane v0, v2  }
0x90: {  	s9 =	sor.u32 s9, s0;
	v4 =	vld [tilespmem:s10+$0x40E0];
	v3 =	vperm.xlane v0, v3;
	[tilespmem:s10+$0xC0F0] =	vst v1  }
0x91: {  	v5 =	vld [tilespmem:s9+$0x40F0];
	[tilespmem:s10+$0xC080] =	vst v2;
	v1 =	vperm.xlane v0, v6  }
0x92: {  	v2 =	vld [tilespmem:s9+$0x4080];
	[tilespmem:s10+$0xC090] =	vst v3;
	v6 =	vperm.xlane v0, v7  }
0x93: {  	v3 =	vld [tilespmem:s9+$0x4090];
	v7 =	vperm.xlane v0, v8;
	[tilespmem:s10+$0xC0A0] =	vst v1  }
0x94: {  	s7 =	sadd.s32 $0x20, s8;
	v1 =	vld [tilespmem:s9+$0x40A0];
	[tilespmem:s10+$0xC0B0] =	vst v6;
	v6 =	vperm.xlane v0, v9  }
.LBB2_7:
0x95: {  	s16 =	sadd.s32 $0x80, s16;
	v8 =	vld [tilespmem:s9+$0x40B0];
	s17 =	sadd.s32 $0x400, s17;
	[tilespmem:s10+$0xC0C0] =	vst v7;
	v4 =	vperm.xlane v0, v4  }
0x96: {  	s31 =	sadd.s32 $0x20, s31;
	s0 =	sand.u32 $0x1000, s16;
	s2 =	sand.u32 $0xC00, s17;
	v7 =	vld [tilespmem:s9+$0x40C0];
	v5 =	vperm.xlane v0, v5;
	[tilespmem:s10+$0xC0D0] =	vst v6  }
0x97: {  	p2 =	slt.u32 s16, $0x1F80;
	s0 =	sor.u32 s0, s2;
	s2 =	sand.u32 $0x380, s31;
	v2 =	vperm.xlane v0, v2;
	v6 =	vld [tilespmem:s9+$0x40D0];
	[tilespmem:s10+$0xC0E0] =	vst v4  }
.Ltmp4:
0x98: {  	s10 =	smov.u32 s9;
	v3 =	vperm.xlane v0, v3;
	v4 =	vld [tilespmem:s9+$0x40E0];
	[tilespmem:s9+$0xC0F0] =	vst v5;
	s9 =	sor.u32 s2, s0;
	(pc) =	sbr.rel @p2 .LBB2_7-.Ltmp4, $4  }
0x99: {  	v5 =	vld [tilespmem:s9+$0x40F0];
	[tilespmem:s10+$0xC080] =	vst v2;
	v1 =	vperm.xlane v0, v1  }
0x9a: {  	v2 =	vld [tilespmem:s9+$0x4080];
	[tilespmem:s10+$0xC090] =	vst v3;
	v8 =	vperm.xlane v0, v8  }
0x9b: {  	v3 =	vld [tilespmem:s9+$0x4090];
	[tilespmem:s10+$0xC0A0] =	vst v1;
	v7 =	vperm.xlane v0, v7  }
0x9c: {  	v1 =	vld [tilespmem:s9+$0x40A0];
	[tilespmem:s10+$0xC0B0] =	vst v8;
	v6 =	vperm.xlane v0, v6  }
0x9d: {  	v8 =	vld [tilespmem:s9+$0x40B0];
	[tilespmem:s10+$0xC0C0] =	vst v7;
	v4 =	vperm.xlane v0, v4  }
0x9e: {  	v7 =	vld [tilespmem:s9+$0x40C0];
	v5 =	vperm.xlane v0, v5;
	[tilespmem:s10+$0xC0D0] =	vst v6  }
0x9f: {  	v6 =	vld [tilespmem:s9+$0x40D0];
	v2 =	vperm.xlane v0, v2;
	[tilespmem:s10+$0xC0E0] =	vst v4  }
0xa0: {  	v4 =	vld [tilespmem:s9+$0x40E0];
	v3 =	vperm.xlane v0, v3;
	[tilespmem:s9+$0xC0F0] =	vst v5  }
0xa1: {  	[tilespmem:s9+$0xC080] =	vst v2;
	v1 =	vperm.xlane v0, v1  }
0xa2: {  	[tilespmem:s9+$0xC090] =	vst v3;
	v2 =	vperm.xlane v0, v8  }
0xa3: {  	[tilespmem:s9+$0xC0A0] =	vst v1;
	v1 =	vperm.xlane v0, v7  }
0xa4: {  	[tilespmem:s9+$0xC0B0] =	vst v2;
	v2 =	vperm.xlane v0, v6  }
0xa5: {  	[tilespmem:s9+$0xC0C0] =	vst v1;
	v1 =	vperm.xlane v0, v4  }
0xa6: {  	s0 =	sshll.u32 s7, $0x6;
	[tilespmem:s9+$0xC0D0] =	vst v2  }
0xa7: {  	s0 =	sadd.s32 s3, s0;
	[tilespmem:s9+$0xC0E0] =	vst v1  }
0xa8: {  	[hbm4b:s0+s4] =	stream.linear.scatter [tilespmem:s28], [sflag:$0x7], $0x2000, $0x38;
	[tilespmem:$0x10080] =	vst v63  }
0xa9: {  	s0 =	sadd.s32 @!p1 s6, s14  }
0xaa: {  	s0 =	sshll.u32 @!p1 s0, $0x6  }
0xab: {  	s2 =	simm.s32 @!p1 $0x0;
	s7 =	simm.s32 @!p1 $0x4080;
	s0 =	sadd.s32 @!p1 s1, s0  }
0xac: {  	[tilespmem:s7], [sflag:$0x3] =	stream.linear.gather @!p1 [hbm4b:s0+s2], $0x2000, $0x38;
	[tilespmem:$0x10080] =	vst v63  }
0xad: {  	_ =	swait.ge [sflag:s29], $0x2000  }
0xae: {  	s16 =	simm.s32 $0x0;
	[sflag:s29] =	ssyncset.done $0x0  }
0xaf: {  	s10 =	simm.s32 $0x0;
	s0 =	simm.s32 @!p0 $0x8;
	[sflag:s29] =	ssyncadd.s32 $0xFFFFE000  }
0xb0: {  	s17 =	sand.u32 $0xC00, s10;
	s7 =	sand.u32 $0x1000, s16;
	_ =	swait.ge @!p0 [sflag:s0], $0x2000  }
0xb1: {  	s2 =	sand.u32 $0x380, s10;
	s7 =	sor.u32 s7, s17;
	[sflag:s0] =	ssyncset.done @!p0 $0x0  }
0xb2: {  	s10 =	sor.u32 s2, s7;
	[sflag:s0] =	ssyncadd.s32 @!p0 $0xFFFFE000  }
0xb3: {  	v1 =	vld [tilespmem:s10+$0x60F0]  }
0xb4: {  	v2 =	vld [tilespmem:s10+$0x6080]  }
0xb5: {  	v3 =	vld [tilespmem:s10+$0x6090]  }
0xb6: {  	v6 =	vld [tilespmem:s10+$0x60A0]  }
0xb7: {  	s16 =	simm.s32 $0x80;
	s17 =	simm.s32 $0x400;
	v7 =	vld [tilespmem:s10+$0x60B0]  }
0xb8: {  	s31 =	simm.s32 $0x20;
	s2 =	sand.u32 $0x1000, s16;
	s7 =	sand.u32 $0xC00, s17;
	v8 =	vld [tilespmem:s10+$0x60C0];
	v1 =	vperm.xlane v0, v1  }
0xb9: {  	s9 =	sand.u32 $0x380, s31;
	s0 =	sor.u32 s2, s7;
	v9 =	vld [tilespmem:s10+$0x60D0];
	v2 =	vperm.xlane v0, v2  }
0xba: {  	s9 =	sor.u32 s9, s0;
	v4 =	vld [tilespmem:s10+$0x60E0];
	v3 =	vperm.xlane v0, v3;
	[tilespmem:s10+$0xE0F0] =	vst v1  }
0xbb: {  	v5 =	vld [tilespmem:s9+$0x60F0];
	[tilespmem:s10+$0xE080] =	vst v2;
	v1 =	vperm.xlane v0, v6  }
0xbc: {  	v2 =	vld [tilespmem:s9+$0x6080];
	[tilespmem:s10+$0xE090] =	vst v3;
	v6 =	vperm.xlane v0, v7  }
0xbd: {  	v3 =	vld [tilespmem:s9+$0x6090];
	v7 =	vperm.xlane v0, v8;
	[tilespmem:s10+$0xE0A0] =	vst v1  }
0xbe: {  	s7 =	sadd.s32 $0x30, s8;
	v1 =	vld [tilespmem:s9+$0x60A0];
	[tilespmem:s10+$0xE0B0] =	vst v6;
	v6 =	vperm.xlane v0, v9  }
.LBB2_9:
0xbf: {  	s16 =	sadd.s32 $0x80, s16;
	v8 =	vld [tilespmem:s9+$0x60B0];
	s17 =	sadd.s32 $0x400, s17;
	[tilespmem:s10+$0xE0C0] =	vst v7;
	v4 =	vperm.xlane v0, v4  }
0xc0: {  	s31 =	sadd.s32 $0x20, s31;
	s0 =	sand.u32 $0x1000, s16;
	s2 =	sand.u32 $0xC00, s17;
	v7 =	vld [tilespmem:s9+$0x60C0];
	v5 =	vperm.xlane v0, v5;
	[tilespmem:s10+$0xE0D0] =	vst v6  }
0xc1: {  	p0 =	slt.u32 s16, $0x1F80;
	s0 =	sor.u32 s0, s2;
	s2 =	sand.u32 $0x380, s31;
	v2 =	vperm.xlane v0, v2;
	v6 =	vld [tilespmem:s9+$0x60D0];
	[tilespmem:s10+$0xE0E0] =	vst v4  }
.Ltmp5:
0xc2: {  	s10 =	smov.u32 s9;
	v3 =	vperm.xlane v0, v3;
	v4 =	vld [tilespmem:s9+$0x60E0];
	[tilespmem:s9+$0xE0F0] =	vst v5;
	s9 =	sor.u32 s2, s0;
	(pc) =	sbr.rel @p0 .LBB2_9-.Ltmp5, $4  }
0xc3: {  	v5 =	vld [tilespmem:s9+$0x60F0];
	[tilespmem:s10+$0xE080] =	vst v2;
	v1 =	vperm.xlane v0, v1  }
0xc4: {  	v2 =	vld [tilespmem:s9+$0x6080];
	[tilespmem:s10+$0xE090] =	vst v3;
	v8 =	vperm.xlane v0, v8  }
0xc5: {  	v3 =	vld [tilespmem:s9+$0x6090];
	[tilespmem:s10+$0xE0A0] =	vst v1;
	v7 =	vperm.xlane v0, v7  }
0xc6: {  	v1 =	vld [tilespmem:s9+$0x60A0];
	[tilespmem:s10+$0xE0B0] =	vst v8;
	v6 =	vperm.xlane v0, v6  }
0xc7: {  	v8 =	vld [tilespmem:s9+$0x60B0];
	[tilespmem:s10+$0xE0C0] =	vst v7;
	v4 =	vperm.xlane v0, v4  }
0xc8: {  	v61 =	vld [tilespmem:s9+$0x60C0];
	v5 =	vperm.xlane v0, v5;
	[tilespmem:s10+$0xE0D0] =	vst v6  }
0xc9: {  	v62 =	vld [tilespmem:s9+$0x60D0];
	v2 =	vperm.xlane v0, v2;
	[tilespmem:s10+$0xE0E0] =	vst v4  }
0xca: {  	v63 =	vld [tilespmem:s9+$0x60E0];
	v3 =	vperm.xlane v0, v3;
	[tilespmem:s9+$0xE0F0] =	vst v5  }
0xcb: {  	[tilespmem:s9+$0xE080] =	vst v2;
	v1 =	vperm.xlane v0, v1  }
0xcc: {  	[tilespmem:s9+$0xE090] =	vst v3;
	v2 =	vperm.xlane v0, v8  }
0xcd: {  	[tilespmem:s9+$0xE0A0] =	vst v1;
	v1 =	vperm.xlane v0, v61  }
.Ltmp6:
0xce: {  	[tilespmem:s9+$0xE0B0] =	vst v2;
	v2 =	vperm.xlane v0, v62;
	(pc) =	sbr.rel @p1 .LBB2_12-.Ltmp6, $4  }
0xcf: {  	[tilespmem:s9+$0xE0C0] =	vst v1;
	v1 =	vperm.xlane v0, v63  }
0xd0: {  	s0 =	sshll.u32 s7, $0x6;
	[tilespmem:s9+$0xE0D0] =	vst v2  }
0xd1: {  	s0 =	sadd.s32 s3, s0;
	[tilespmem:s9+$0xE0E0] =	vst v1  }
0xd2: {  	[hbm4b:s0+s4] =	stream.linear.scatter [tilespmem:s30], [sflag:$0x8], $0x2000, $0x38;
	[tilespmem:$0x10080] =	vst v63  }
.Ltmp7:
0xd3: {  	(pc) =	sbr.rel .LBB2_2-.Ltmp7, $4  }
0xd4: {  	s0 =	sadd.s32 s6, s15  }
0xd5: {  	s0 =	sshll.u32 s0, $0x6  }
0xd6: {  	s20 =	sadd.s32 $0x1, s20;
	s0 =	sadd.s32 s1, s0  }
0xd7: {  	[tilespmem:s21], [sflag:$0x4] =	stream.linear.gather [hbm4b:s0+s4], $0x2000, $0x38;
	[tilespmem:$0x10080] =	vst v63  }
.LBB2_13:
0xd8: {  	_ =	sfence.sel $0x180000  }
0xd9: {  	[bflag:$0x0] =	sbarrier.arrive $0xFFFF  }
0xda: {  	_ =	strace $0x90000047  }
0xdb: {  	s0 =	stileid.u32;
	[bflag:$0x2] =	sbarrier.arrive $0xFFFF  }
0xdc: {  	p0 =	sne.s32 s0, $0x0;
	s0 =	rddreg [dreg:$0x3]  }
0xdd: {  	s0 =	sadd.s32 @!p0 $0x100000, s0  }
0xde: {  	[sflag:s0] =	ssyncadd.tile.s32 @!p0 $0x1;
	_ =	shalt  }
.Lfunc_end2:
_tile_overlayer_lowered:
.L_overlay_start_2:
0xdf: {  	(tag) =	ssettag $0x2  }
0xe0: {  	s0 =	rddreg [dreg:$0x0];
	s2 =	stileid.u32  }
0xe1: {  	s1 =	rddreg [dreg:$0x1];
	p0 =	sne.s32 s2, $0x0  }
0xe2: {  	s3 =	rddreg [dreg:$0x2];
	[bflag:$0x3] =	sbarrier.arrive $0xFFFF;
	s2 =	simm.s32 @!p0 $0x1C09  }
0xe3: {  	[timem:s3], [sflag:s2] =	dma.local @!p0 [hbm:s0], s1  }
0xe4: {  	s0 =	simm.s32 @!p0 $0x9  }
0xe5: {  	_ =	swait.ge @!p0 [sflag:s0], s1  }
0xe6: {  	s1 =	ssub.s32 @!p0 $0x0, s1;
	[sflag:s0] =	ssyncset.done @!p0 $0x0  }
0xe7: {  	[sflag:s0] =	ssyncadd.s32 @!p0 s1  }
0xe8: {  	[bflag:$0x3] =	sbarrier.arrive $0xFFFF  }
0xe9: {  	_ =	shalt  }

</sc_bundles>
